<compile_context>
chip_gen: v7x
topology: tpu7x:2x2x1
jax: 0.10.2.dev20260603
libtpu: 0.0.44.dev20260713+nightly
codegen_flags: <defaults>
</compile_context>

<pallas_src>
import functools

import jax
import jax.numpy as jnp
from jax import lax
from jax.experimental import pallas as pl
from jax.experimental.pallas import tpu as pltpu
from jax.experimental.pallas import tpu_sc as plsc

_NC = 2
_NS = 16
_LANES = 16



def _dense_kernel(x_ref, wt_ref, ssrc_ref, sdst_ref, h_ref, as_ref, ad_ref):
    h = jnp.dot(x_ref[...], wt_ref[...], preferred_element_type=jnp.float32)
    h_ref[...] = h
    as_ref[...] = jnp.dot(h, ssrc_ref[...], preferred_element_type=jnp.float32)
    ad_ref[...] = jnp.dot(h, sdst_ref[...], preferred_element_type=jnp.float32)


def _dense(x, wt, ssrc, sdst):
    n = x.shape[0]
    f = wt.shape[1]
    return pl.pallas_call(
        _dense_kernel,
        out_shape=(
            jax.ShapeDtypeStruct((n, f), jnp.float32),
            jax.ShapeDtypeStruct((n, 16), jnp.float32),
            jax.ShapeDtypeStruct((n, 16), jnp.float32),
        ),
    )(x, wt, ssrc, sdst)


def _finish_kernel(acc_ref, den_ref, r_ref, b_ref, o_ref, *, elu):
    acc = acc_ref[0] + acc_ref[1]
    den = den_ref[0] + den_ref[1]
    rep = jnp.dot(den, r_ref[...], preferred_element_type=jnp.float32)
    out = acc / (rep + 1e-16) + b_ref[...]
    if elu:
        out = jnp.where(out > 0, out, jnp.exp(jnp.minimum(out, 0.0)) - 1.0)
    o_ref[...] = out


def _finish(accp, denp, rmat, b, elu):
    n = accp.shape[1]
    f = accp.shape[2]
    return pl.pallas_call(
        functools.partial(_finish_kernel, elu=elu),
        out_shape=jax.ShapeDtypeStruct((n, f), jnp.float32),
    )(accp, denp, rmat, b[None, :])


def _sel_matrix(att):
    heads, c = att.shape
    eye = jnp.eye(heads, 16, dtype=jnp.float32)
    return (att[:, :, None] * eye[:, None, :]).reshape(heads * c, 16)


def _rep_matrix(heads, c):
    eye = jnp.eye(16, heads, dtype=jnp.float32)
    return jnp.repeat(eye, c, axis=1)



def _lane_splat(v, lane):
    idx = jnp.full((16, 1), lane, dtype=jnp.int32)
    dn = lax.GatherDimensionNumbers(
        offset_dims=(), collapsed_slice_dims=(0,), start_index_map=(0,))
    return lax.gather(v, idx, dn, (1,),
                      mode=lax.GatherScatterMode.PROMISE_IN_BOUNDS)


def _edge_body(nnodes, nedges, feat, chead, _K, src_hbm, dst_hbm, h_hbm, ats_hbm,
               atd_hbm, zacc_hbm, zden_hbm, accp_hbm, denp_hbm, srcv, dstv,
               asg, adg, wv, rows, acc_sh, den_sh, sems):
    cid = lax.axis_index("c")
    sid = lax.axis_index("s")

    nper = (nnodes // _NS) // 8 * 8
    tail = nnodes - _NS * nper
    zoff = sid * nper

    def _rowcopy(src_ref, dst_ref):
        pltpu.sync_copy(src_ref.at[pl.ds(zoff, nper)],
                        dst_ref.at[pl.ds(zoff, nper)])
        if tail:
            @pl.when(sid == _NS - 1)
            def _():
                pltpu.sync_copy(src_ref.at[pl.ds(_NS * nper, tail)],
                                dst_ref.at[pl.ds(_NS * nper, tail)])

    _rowcopy(zacc_hbm, acc_sh)
    _rowcopy(zden_hbm, den_sh)
    plsc.subcore_barrier()

    per_sub = nedges // (_NC * _NS)
    ebase = (cid * _NS + sid) * per_sub
    nchunks = per_sub // _K

    srcv_b, dstv_b = srcv[0], dstv[0]
    asg_b, adg_b, rows_b = asg[0], adg[0], rows[0]

    @pl.loop(0, nchunks)
    def _chunk(i):
        off = ebase + i * _K
        pltpu.sync_copy(src_hbm.at[pl.ds(off, _K)], srcv_b)
        pltpu.sync_copy(dst_hbm.at[pl.ds(off, _K)], dstv_b)
        ca = pltpu.async_copy(ats_hbm.at[srcv_b], asg_b, sems[0])
        cb = pltpu.async_copy(atd_hbm.at[dstv_b], adg_b, sems[1])
        cr = pltpu.async_copy(h_hbm.at[srcv_b], rows_b, sems[2])
        ca.wait()
        cb.wait()

        @pl.loop(0, _K)
        def _w(e):
            a = asg_b[e] + adg_b[e]
            a = jnp.maximum(a, 0.2 * a)
            wv[e] = jnp.exp(a)

        pltpu.sync_copy(wv, den_sh.at[dstv_b], add=True)
        cr.wait()

        @pl.loop(0, _K)
        def _scale(e):
            wr = wv[e]
            m = None
            for cc in range(feat // _LANES):
                head = (cc * _LANES) // chead
                if cc == 0 or head != (((cc - 1) * _LANES) // chead):
                    m = _lane_splat(wr, head)
                sl = pl.ds(cc * _LANES, _LANES)
                rows_b[e, sl] = rows_b[e, sl] * m

        pltpu.sync_copy(rows_b, acc_sh.at[dstv_b], add=True)

    plsc.subcore_barrier()

    def _dumpcopy(sh_ref, out_ref):
        pltpu.sync_copy(sh_ref.at[pl.ds(zoff, nper)],
                        out_ref.at[cid, pl.ds(zoff, nper)])
        if tail:
            @pl.when(sid == _NS - 1)
            def _():
                pltpu.sync_copy(sh_ref.at[pl.ds(_NS * nper, tail)],
                                out_ref.at[cid, pl.ds(_NS * nper, tail)])

    _dumpcopy(acc_sh, accp_hbm)
    _dumpcopy(den_sh, denp_hbm)


def _edge_phase_sc(src, dst, h, ats, atd, chead, kchunk):
    n, feat = h.shape
    e = src.shape[0]
    mesh = plsc.VectorSubcoreMesh(core_axis_name="c", subcore_axis_name="s")
    body = functools.partial(_edge_body, n, e, feat, chead, kchunk)
    zacc = jnp.zeros((n, feat), jnp.float32)
    zden = jnp.zeros((n, 16), jnp.float32)
    sc = pl.kernel(
        body,
        out_type=(
            jax.ShapeDtypeStruct((_NC, n, feat), jnp.float32),
            jax.ShapeDtypeStruct((_NC, n, 16), jnp.float32),
        ),
        mesh=mesh,
        compiler_params=pltpu.CompilerParams(use_tc_tiling_on_sc=False),
        scratch_types=[
            [pltpu.VMEM((kchunk,), jnp.int32)] * 1,
            [pltpu.VMEM((kchunk,), jnp.int32)] * 1,
            [pltpu.VMEM((kchunk, 16), jnp.float32)] * 1,
            [pltpu.VMEM((kchunk, 16), jnp.float32)] * 1,
            pltpu.VMEM((kchunk, 16), jnp.float32),
            [pltpu.VMEM((kchunk, feat), jnp.float32)] * 1,
            pltpu.VMEM_SHARED((n, feat), jnp.float32),
            pltpu.VMEM_SHARED((n, 16), jnp.float32),
            [pltpu.SemaphoreType.DMA] * 3,
        ],
    )
    return sc(src, dst, h, ats, atd, zacc, zden)



def kernel(x, edge_index, W1, att_src1, att_dst1, b1, W2, att_src2, att_dst2, b2):
    src = edge_index[0]
    dst = edge_index[1]

    h1, as1, ad1 = _dense(x, W1.T, _sel_matrix(att_src1), _sel_matrix(att_dst1))
    acc1, den1 = _edge_phase_sc(src, dst, h1, as1, ad1, 32, 200)
    x2 = _finish(acc1, den1, _rep_matrix(4, 32), b1, elu=True)

    h2, as2, ad2 = _dense(x2, W2.T, _sel_matrix(att_src2), _sel_matrix(att_dst2))
    acc2, den2 = _edge_phase_sc(src, dst, h2, as2, ad2, 64, 200)
    out = _finish(acc2, den2, _rep_matrix(1, 64), b2, elu=False)
    return out

# --- scband reference (transcript-rebuilt; emitter-appended) ---
"""Pipeline reference for scband-gat-3186865734224 (READ-ONLY COPY).

The authoritative reference and input builder live on the scoring server;
editing this copy changes nothing except your own understanding.
"""

import jax, jax.numpy as jnp
import numpy as np

N = 10000
E = 320000
IN = 128
HID = 32
HEADS = 4
OUT = 64


def setup_inputs(seed: int = 0) -> dict:
    key = jax.random.key(seed)
    ks = jax.random.split(key, 12)
    x = jax.random.normal(ks[0], (N, IN), dtype=jnp.float32)
    edge_index = jax.random.randint(ks[1], (2, E), 0, N, dtype=jnp.int32)
    # layer 1 params: GATConv(IN -> HID, heads=HEADS, concat=True)
    W1 = jax.random.normal(ks[2], (HEADS * HID, IN), dtype=jnp.float32) * 0.08
    att_src1 = jax.random.normal(ks[3], (HEADS, HID), dtype=jnp.float32) * 0.1
    att_dst1 = jax.random.normal(ks[4], (HEADS, HID), dtype=jnp.float32) * 0.1
    b1 = jnp.zeros((HEADS * HID,), dtype=jnp.float32)
    # layer 2 params: GATConv(HEADS*HID -> OUT, heads=1, concat=False)
    W2 = jax.random.normal(ks[5], (OUT, HEADS * HID), dtype=jnp.float32) * 0.08
    att_src2 = jax.random.normal(ks[6], (1, OUT), dtype=jnp.float32) * 0.1
    att_dst2 = jax.random.normal(ks[7], (1, OUT), dtype=jnp.float32) * 0.1
    b2 = jnp.zeros((OUT,), dtype=jnp.float32)
    return {
        "x": x, "edge_index": edge_index,
        "W1": W1, "att_src1": att_src1, "att_dst1": att_dst1, "b1": b1,
        "W2": W2, "att_src2": att_src2, "att_dst2": att_dst2, "b2": b2,
    }


def _gat_conv(x, edge_index, W, att_src, att_dst, bias, heads, out_ch, concat):
    n = x.shape[0]
    h = (x @ W.T).reshape(n, heads, out_ch)
    src = edge_index[0]
    dst = edge_index[1]
    alpha_src = (h * att_src[None, :, :]).sum(-1)  # [N, H]
    alpha_dst = (h * att_dst[None, :, :]).sum(-1)  # [N, H]
    alpha = alpha_src[src] + alpha_dst[dst]        # [E, H]
    alpha = jax.nn.leaky_relu(alpha, negative_slope=0.2)
    # softmax over incoming edges per destination node
    amax = jax.ops.segment_max(alpha, dst, num_segments=n)
    amax = jnp.where(jnp.isfinite(amax), amax, 0.0)
    amax = jax.lax.stop_gradient(amax)
    ea = jnp.exp(alpha - amax[dst])
    denom = jax.ops.segment_sum(ea, dst, num_segments=n)
    coef = ea / (denom[dst] + 1e-16)               # [E, H]
    msg = h[src] * coef[:, :, None]                # [E, H, C]
    out = jax.ops.segment_sum(msg, dst, num_segments=n)  # [N, H, C]
    if concat:
        out = out.reshape(n, heads * out_ch)
    else:
        out = out.mean(axis=1)
    return out + bias[None, :]


def reference(x, edge_index, W1, att_src1, att_dst1, b1, W2, att_src2, att_dst2, b2):
    # dropout is identity in eval mode (training=False)
    h = _gat_conv(x, edge_index, W1, att_src1, att_dst1, b1, HEADS, HID, True)
    h = jax.nn.elu(h)
    out = _gat_conv(h, edge_index, W2, att_src2, att_dst2, b2, 1, OUT, False)
    return out

if __name__ == "__main__":
    import jax
    _d = setup_inputs()
    print(jax.jit(kernel)(*tuple(_d.values())))

</pallas_src>

<mosaic_0001>
#map = affine_map<(d0, d1) -> (0)>
#map1 = affine_map<(d0, d1) -> (0, 0)>
#map2 = affine_map<(d0, d1) -> (0, 0, 0)>
module attributes {stable_mosaic.version = 14 : i64} {
  func.func @_edge_body(%arg0: i32, %arg1: i32, %arg2: memref<320000xi32, #tpu.memory_space<hbm>>, %arg3: memref<320000xi32, #tpu.memory_space<hbm>>, %arg4: memref<10000x128xf32, #tpu.memory_space<hbm>>, %arg5: memref<10000x16xf32, #tpu.memory_space<hbm>>, %arg6: memref<10000x16xf32, #tpu.memory_space<hbm>>, %arg7: memref<10000x128xf32, #tpu.memory_space<hbm>>, %arg8: memref<10000x16xf32, #tpu.memory_space<hbm>>, %arg9: memref<2x10000x128xf32, #tpu.memory_space<hbm>>, %arg10: memref<2x10000x16xf32, #tpu.memory_space<hbm>>, %arg11: memref<200xi32, #tpu.memory_space<vmem>>, %arg12: memref<200xi32, #tpu.memory_space<vmem>>, %arg13: memref<200x16xf32, #tpu.memory_space<vmem>>, %arg14: memref<200x16xf32, #tpu.memory_space<vmem>>, %arg15: memref<200x16xf32, #tpu.memory_space<vmem>>, %arg16: memref<200x128xf32, #tpu.memory_space<vmem>>, %arg17: memref<10000x128xf32, #tpu.memory_space<vmem_shared>>, %arg18: memref<10000x16xf32, #tpu.memory_space<vmem_shared>>, %arg19: memref<!tpu.dma_semaphore, #tpu.memory_space<semaphore_mem>>, %arg20: memref<!tpu.dma_semaphore, #tpu.memory_space<semaphore_mem>>, %arg21: memref<!tpu.dma_semaphore, #tpu.memory_space<semaphore_mem>>) attributes {dimension_semantics = [#tpu.dimension_semantics<core_parallel>, #tpu.dimension_semantics<subcore_parallel>], iteration_bounds = array<i64: 2, 16>, scalar_prefetch = 0 : i64, scratch_operands = 11 : i64, tpu.core_type = #tpu.core_type<sc_vector_subcore>, window_params = [{transform_indices = #map}, {transform_indices = #map}, {transform_indices = #map1}, {transform_indices = #map1}, {transform_indices = #map1}, {transform_indices = #map1}, {transform_indices = #map1}, {transform_indices = #map2}, {transform_indices = #map2}]} {
    %mul3A = arith.constant 624 : i32
    %mul3A_0 = arith.muli %arg1, %mul3A : i32
    "tpu.region"() ({
      %run_scoped3A = tpu.sem_alloc : memref<!tpu.dma_semaphore, #tpu.memory_space<semaphore_mem>>
      %dma_start3A = arith.constant 0 : i32
      %dma_start3A_27 = tpu.memref_slice %arg17[%mul3A_0, %dma_start3A] : memref<10000x128xf32, #tpu.memory_space<vmem_shared>> -> memref<624x128xf32, #tpu.memory_space<vmem_shared>>
      %dma_start3A_28 = arith.constant 0 : i32
      %dma_start3A_29 = tpu.memref_slice %arg7[%mul3A_0, %dma_start3A_28] : memref<10000x128xf32, #tpu.memory_space<hbm>> -> memref<624x128xf32, #tpu.memory_space<hbm>>
      tpu.enqueue_dma source(%dma_start3A_29 : memref<624x128xf32, #tpu.memory_space<hbm>>) target(%dma_start3A_27 : memref<624x128xf32, #tpu.memory_space<vmem_shared>>) target_semaphore(%run_scoped3A : memref<!tpu.dma_semaphore, #tpu.memory_space<semaphore_mem>>)
      %dma_wait3A = arith.constant 0 : i32
      %dma_wait3A_30 = tpu.memref_slice %arg17[%mul3A_0, %dma_wait3A] : memref<10000x128xf32, #tpu.memory_space<vmem_shared>> -> memref<624x128xf32, #tpu.memory_space<vmem_shared>>
      %dma_wait3A_31 = arith.constant 0 : i32
      %dma_wait3A_32 = tpu.memref_slice %arg7[%mul3A_0, %dma_wait3A_31] : memref<10000x128xf32, #tpu.memory_space<hbm>> -> memref<624x128xf32, #tpu.memory_space<hbm>>
      tpu.wait_dma2 semaphore(%run_scoped3A : memref<!tpu.dma_semaphore, #tpu.memory_space<semaphore_mem>>) src(%dma_wait3A_32 : memref<624x128xf32, #tpu.memory_space<hbm>>) dst(%dma_wait3A_30 : memref<624x128xf32, #tpu.memory_space<vmem_shared>>)
      tpu.yield
    }) : () -> ()
    %eq3A = arith.constant 15 : i32
    %eq3A_1 = arith.cmpi eq, %arg1, %eq3A : i32
    %convert_element_type3A = arith.extui %eq3A_1 : i1 to i32
    %cond3A = arith.constant 0 : i32
    %cond3A_2 = arith.cmpi ne, %convert_element_type3A, %cond3A : i32
    scf.if %cond3A_2 {
      "tpu.region"() ({
        %run_scoped3A = tpu.sem_alloc : memref<!tpu.dma_semaphore, #tpu.memory_space<semaphore_mem>>
        %dma_start3A = arith.constant 9984 : i32
        %dma_start3A_27 = arith.constant 0 : i32
        %dma_start3A_28 = tpu.memref_slice %arg17[%dma_start3A, %dma_start3A_27] : memref<10000x128xf32, #tpu.memory_space<vmem_shared>> -> memref<16x128xf32, #tpu.memory_space<vmem_shared>>
        %dma_start3A_29 = arith.constant 9984 : i32
        %dma_start3A_30 = arith.constant 0 : i32
        %dma_start3A_31 = tpu.memref_slice %arg7[%dma_start3A_29, %dma_start3A_30] : memref<10000x128xf32, #tpu.memory_space<hbm>> -> memref<16x128xf32, #tpu.memory_space<hbm>>
        tpu.enqueue_dma source(%dma_start3A_31 : memref<16x128xf32, #tpu.memory_space<hbm>>) target(%dma_start3A_28 : memref<16x128xf32, #tpu.memory_space<vmem_shared>>) target_semaphore(%run_scoped3A : memref<!tpu.dma_semaphore, #tpu.memory_space<semaphore_mem>>)
        %dma_wait3A = arith.constant 9984 : i32
        %dma_wait3A_32 = arith.constant 0 : i32
        %dma_wait3A_33 = tpu.memref_slice %arg17[%dma_wait3A, %dma_wait3A_32] : memref<10000x128xf32, #tpu.memory_space<vmem_shared>> -> memref<16x128xf32, #tpu.memory_space<vmem_shared>>
        %dma_wait3A_34 = arith.constant 9984 : i32
        %dma_wait3A_35 = arith.constant 0 : i32
        %dma_wait3A_36 = tpu.memref_slice %arg7[%dma_wait3A_34, %dma_wait3A_35] : memref<10000x128xf32, #tpu.memory_space<hbm>> -> memref<16x128xf32, #tpu.memory_space<hbm>>
        tpu.wait_dma2 semaphore(%run_scoped3A : memref<!tpu.dma_semaphore, #tpu.memory_space<semaphore_mem>>) src(%dma_wait3A_36 : memref<16x128xf32, #tpu.memory_space<hbm>>) dst(%dma_wait3A_33 : memref<16x128xf32, #tpu.memory_space<vmem_shared>>)
        tpu.yield
      }) : () -> ()
    } else {
    }
    "tpu.region"() ({
      %run_scoped3A = tpu.sem_alloc : memref<!tpu.dma_semaphore, #tpu.memory_space<semaphore_mem>>
      %dma_start3A = arith.constant 0 : i32
      %dma_start3A_27 = tpu.memref_slice %arg18[%mul3A_0, %dma_start3A] : memref<10000x16xf32, #tpu.memory_space<vmem_shared>> -> memref<624x16xf32, #tpu.memory_space<vmem_shared>>
      %dma_start3A_28 = arith.constant 0 : i32
      %dma_start3A_29 = tpu.memref_slice %arg8[%mul3A_0, %dma_start3A_28] : memref<10000x16xf32, #tpu.memory_space<hbm>> -> memref<624x16xf32, #tpu.memory_space<hbm>>
      tpu.enqueue_dma source(%dma_start3A_29 : memref<624x16xf32, #tpu.memory_space<hbm>>) target(%dma_start3A_27 : memref<624x16xf32, #tpu.memory_space<vmem_shared>>) target_semaphore(%run_scoped3A : memref<!tpu.dma_semaphore, #tpu.memory_space<semaphore_mem>>)
      %dma_wait3A = arith.constant 0 : i32
      %dma_wait3A_30 = tpu.memref_slice %arg18[%mul3A_0, %dma_wait3A] : memref<10000x16xf32, #tpu.memory_space<vmem_shared>> -> memref<624x16xf32, #tpu.memory_space<vmem_shared>>
      %dma_wait3A_31 = arith.constant 0 : i32
      %dma_wait3A_32 = tpu.memref_slice %arg8[%mul3A_0, %dma_wait3A_31] : memref<10000x16xf32, #tpu.memory_space<hbm>> -> memref<624x16xf32, #tpu.memory_space<hbm>>
      tpu.wait_dma2 semaphore(%run_scoped3A : memref<!tpu.dma_semaphore, #tpu.memory_space<semaphore_mem>>) src(%dma_wait3A_32 : memref<624x16xf32, #tpu.memory_space<hbm>>) dst(%dma_wait3A_30 : memref<624x16xf32, #tpu.memory_space<vmem_shared>>)
      tpu.yield
    }) : () -> ()
    %eq3A_3 = arith.constant 15 : i32
    %eq3A_4 = arith.cmpi eq, %arg1, %eq3A_3 : i32
    %convert_element_type3A_5 = arith.extui %eq3A_4 : i1 to i32
    %cond3A_6 = arith.constant 0 : i32
    %cond3A_7 = arith.cmpi ne, %convert_element_type3A_5, %cond3A_6 : i32
    scf.if %cond3A_7 {
      "tpu.region"() ({
        %run_scoped3A = tpu.sem_alloc : memref<!tpu.dma_semaphore, #tpu.memory_space<semaphore_mem>>
        %dma_start3A = arith.constant 9984 : i32
        %dma_start3A_27 = arith.constant 0 : i32
        %dma_start3A_28 = tpu.memref_slice %arg18[%dma_start3A, %dma_start3A_27] : memref<10000x16xf32, #tpu.memory_space<vmem_shared>> -> memref<16x16xf32, #tpu.memory_space<vmem_shared>>
        %dma_start3A_29 = arith.constant 9984 : i32
        %dma_start3A_30 = arith.constant 0 : i32
        %dma_start3A_31 = tpu.memref_slice %arg8[%dma_start3A_29, %dma_start3A_30] : memref<10000x16xf32, #tpu.memory_space<hbm>> -> memref<16x16xf32, #tpu.memory_space<hbm>>
        tpu.enqueue_dma source(%dma_start3A_31 : memref<16x16xf32, #tpu.memory_space<hbm>>) target(%dma_start3A_28 : memref<16x16xf32, #tpu.memory_space<vmem_shared>>) target_semaphore(%run_scoped3A : memref<!tpu.dma_semaphore, #tpu.memory_space<semaphore_mem>>)
        %dma_wait3A = arith.constant 9984 : i32
        %dma_wait3A_32 = arith.constant 0 : i32
        %dma_wait3A_33 = tpu.memref_slice %arg18[%dma_wait3A, %dma_wait3A_32] : memref<10000x16xf32, #tpu.memory_space<vmem_shared>> -> memref<16x16xf32, #tpu.memory_space<vmem_shared>>
        %dma_wait3A_34 = arith.constant 9984 : i32
        %dma_wait3A_35 = arith.constant 0 : i32
        %dma_wait3A_36 = tpu.memref_slice %arg8[%dma_wait3A_34, %dma_wait3A_35] : memref<10000x16xf32, #tpu.memory_space<hbm>> -> memref<16x16xf32, #tpu.memory_space<hbm>>
        tpu.wait_dma2 semaphore(%run_scoped3A : memref<!tpu.dma_semaphore, #tpu.memory_space<semaphore_mem>>) src(%dma_wait3A_36 : memref<16x16xf32, #tpu.memory_space<hbm>>) dst(%dma_wait3A_33 : memref<16x16xf32, #tpu.memory_space<vmem_shared>>)
        tpu.yield
      }) : () -> ()
    } else {
    }
    %barrier3A = arith.constant 0 : index
    tpu.barrier barrier_id(%barrier3A)
    %mul3A_8 = arith.constant 16 : i32
    %mul3A_9 = arith.muli %arg0, %mul3A_8 : i32
    %add3A = arith.addi %mul3A_9, %arg1 : i32
    %mul3A_10 = arith.constant 10000 : i32
    %mul3A_11 = arith.muli %add3A, %mul3A_10 : i32
    %scan3A = arith.constant 0 : i32
    %scan3A_12 = arith.constant 50 : i32
    %scan3A_13 = arith.addi %scan3A, %scan3A_12 : i32
    %scan3A_14 = arith.constant 1 : i32
    scf.for %scan3A_27 = %scan3A to %scan3A_13 step %scan3A_14  : i32 {
      %mul3A_28 = arith.constant 1 : i32
      %mul3A_29 = arith.muli %scan3A_27, %mul3A_28 : i32
      %add3A_30 = arith.constant 0 : i32
      %add3A_31 = arith.addi %add3A_30, %mul3A_29 : i32
      %mul3A_32 = arith.constant 200 : i32
      %mul3A_33 = arith.muli %add3A_31, %mul3A_32 : i32
      %add3A_34 = arith.addi %mul3A_11, %mul3A_33 : i32
      "tpu.region"() ({
        %run_scoped3A = tpu.sem_alloc : memref<!tpu.dma_semaphore, #tpu.memory_space<semaphore_mem>>
        %dma_start3A_61 = tpu.memref_slice %arg2[%add3A_34] : memref<320000xi32, #tpu.memory_space<hbm>> -> memref<200xi32, #tpu.memory_space<hbm>>
        %dma_start3A_62 = tpu.memref_slice %arg2[%add3A_34] : memref<320000xi32, #tpu.memory_space<hbm>> -> memref<200xi32, #tpu.memory_space<hbm>>
        tpu.enqueue_dma source(%dma_start3A_62 : memref<200xi32, #tpu.memory_space<hbm>>) target(%arg11 : memref<200xi32, #tpu.memory_space<vmem>>) target_semaphore(%run_scoped3A : memref<!tpu.dma_semaphore, #tpu.memory_space<semaphore_mem>>)
        %dma_wait3A_63 = tpu.memref_slice %arg2[%add3A_34] : memref<320000xi32, #tpu.memory_space<hbm>> -> memref<200xi32, #tpu.memory_space<hbm>>
        %dma_wait3A_64 = tpu.memref_slice %arg2[%add3A_34] : memref<320000xi32, #tpu.memory_space<hbm>> -> memref<200xi32, #tpu.memory_space<hbm>>
        tpu.wait_dma2 semaphore(%run_scoped3A : memref<!tpu.dma_semaphore, #tpu.memory_space<semaphore_mem>>) src(%dma_wait3A_64 : memref<200xi32, #tpu.memory_space<hbm>>) dst(%arg11 : memref<200xi32, #tpu.memory_space<vmem>>)
        tpu.yield
      }) : () -> ()
      "tpu.region"() ({
        %run_scoped3A = tpu.sem_alloc : memref<!tpu.dma_semaphore, #tpu.memory_space<semaphore_mem>>
        %dma_start3A_61 = tpu.memref_slice %arg3[%add3A_34] : memref<320000xi32, #tpu.memory_space<hbm>> -> memref<200xi32, #tpu.memory_space<hbm>>
        %dma_start3A_62 = tpu.memref_slice %arg3[%add3A_34] : memref<320000xi32, #tpu.memory_space<hbm>> -> memref<200xi32, #tpu.memory_space<hbm>>
        tpu.enqueue_dma source(%dma_start3A_62 : memref<200xi32, #tpu.memory_space<hbm>>) target(%arg12 : memref<200xi32, #tpu.memory_space<vmem>>) target_semaphore(%run_scoped3A : memref<!tpu.dma_semaphore, #tpu.memory_space<semaphore_mem>>)
        %dma_wait3A_63 = tpu.memref_slice %arg3[%add3A_34] : memref<320000xi32, #tpu.memory_space<hbm>> -> memref<200xi32, #tpu.memory_space<hbm>>
        %dma_wait3A_64 = tpu.memref_slice %arg3[%add3A_34] : memref<320000xi32, #tpu.memory_space<hbm>> -> memref<200xi32, #tpu.memory_space<hbm>>
        tpu.wait_dma2 semaphore(%run_scoped3A : memref<!tpu.dma_semaphore, #tpu.memory_space<semaphore_mem>>) src(%dma_wait3A_64 : memref<200xi32, #tpu.memory_space<hbm>>) dst(%arg12 : memref<200xi32, #tpu.memory_space<vmem>>)
        tpu.yield
      }) : () -> ()
      %dma_start3A = arith.constant 0 : i32
      %dma_start3A_35 = arith.constant 0 : i32
      %dma_start3A_36 = tpu.memref_slice %arg5[%dma_start3A, %dma_start3A_35] : memref<10000x16xf32, #tpu.memory_space<hbm>> -> memref<10000x16xf32, #tpu.memory_space<hbm>>
      tpu.enqueue_indirect_dma source(%dma_start3A_36 : memref<10000x16xf32, #tpu.memory_space<hbm>>) target(%arg13 : memref<200x16xf32, #tpu.memory_space<vmem>>) offsets(%arg11 : memref<200xi32, #tpu.memory_space<vmem>>) semaphore(%arg19 : memref<!tpu.dma_semaphore, #tpu.memory_space<semaphore_mem>>)
      %dma_start3A_37 = arith.constant 0 : i32
      %dma_start3A_38 = arith.constant 0 : i32
      %dma_start3A_39 = tpu.memref_slice %arg6[%dma_start3A_37, %dma_start3A_38] : memref<10000x16xf32, #tpu.memory_space<hbm>> -> memref<10000x16xf32, #tpu.memory_space<hbm>>
      tpu.enqueue_indirect_dma source(%dma_start3A_39 : memref<10000x16xf32, #tpu.memory_space<hbm>>) target(%arg14 : memref<200x16xf32, #tpu.memory_space<vmem>>) offsets(%arg12 : memref<200xi32, #tpu.memory_space<vmem>>) semaphore(%arg20 : memref<!tpu.dma_semaphore, #tpu.memory_space<semaphore_mem>>)
      %dma_start3A_40 = arith.constant 0 : i32
      %dma_start3A_41 = arith.constant 0 : i32
      %dma_start3A_42 = tpu.memref_slice %arg4[%dma_start3A_40, %dma_start3A_41] : memref<10000x128xf32, #tpu.memory_space<hbm>> -> memref<10000x128xf32, #tpu.memory_space<hbm>>
      tpu.enqueue_indirect_dma source(%dma_start3A_42 : memref<10000x128xf32, #tpu.memory_space<hbm>>) target(%arg16 : memref<200x128xf32, #tpu.memory_space<vmem>>) offsets(%arg11 : memref<200xi32, #tpu.memory_space<vmem>>) semaphore(%arg21 : memref<!tpu.dma_semaphore, #tpu.memory_space<semaphore_mem>>)
      %dma_wait3A = arith.constant 0 : i32
      %dma_wait3A_43 = arith.constant 0 : i32
      %dma_wait3A_44 = tpu.memref_slice %arg5[%dma_wait3A, %dma_wait3A_43] : memref<10000x16xf32, #tpu.memory_space<hbm>> -> memref<10000x16xf32, #tpu.memory_space<hbm>>
      tpu.wait_indirect_dma semaphore(%arg19 : memref<!tpu.dma_semaphore, #tpu.memory_space<semaphore_mem>>) src(%dma_wait3A_44 : memref<10000x16xf32, #tpu.memory_space<hbm>>) dst(%arg13 : memref<200x16xf32, #tpu.memory_space<vmem>>)
      %dma_wait3A_45 = arith.constant 0 : i32
      %dma_wait3A_46 = arith.constant 0 : i32
      %dma_wait3A_47 = tpu.memref_slice %arg6[%dma_wait3A_45, %dma_wait3A_46] : memref<10000x16xf32, #tpu.memory_space<hbm>> -> memref<10000x16xf32, #tpu.memory_space<hbm>>
      tpu.wait_indirect_dma semaphore(%arg20 : memref<!tpu.dma_semaphore, #tpu.memory_space<semaphore_mem>>) src(%dma_wait3A_47 : memref<10000x16xf32, #tpu.memory_space<hbm>>) dst(%arg14 : memref<200x16xf32, #tpu.memory_space<vmem>>)
      %scan3A_48 = arith.constant 0 : i32
      %scan3A_49 = arith.constant 200 : i32
      %scan3A_50 = arith.addi %scan3A_48, %scan3A_49 : i32
      %scan3A_51 = arith.constant 1 : i32
      scf.for %scan3A_61 = %scan3A_48 to %scan3A_50 step %scan3A_51  : i32 {
        %mul3A_62 = arith.constant 1 : i32
        %mul3A_63 = arith.muli %scan3A_61, %mul3A_62 : i32
        %add3A_64 = arith.constant 0 : i32
        %add3A_65 = arith.addi %add3A_64, %mul3A_63 : i32
        %get3A = arith.index_cast %add3A_65 : i32 to index
        %get3A_66 = arith.constant 0 : index
        %get3A_67 = tpu.vector_load %arg13[%get3A, %get3A_66] {strides = array<i32>} : memref<200x16xf32, #tpu.memory_space<vmem>>, vector<1x16xf32>,
        %get3A_68 = vector.shape_cast %get3A_67 : vector<1x16xf32> to vector<16xf32>
        %get3A_69 = arith.index_cast %add3A_65 : i32 to index
        %get3A_70 = arith.constant 0 : index
        %get3A_71 = tpu.vector_load %arg14[%get3A_69, %get3A_70] {strides = array<i32>} : memref<200x16xf32, #tpu.memory_space<vmem>>, vector<1x16xf32>,
        %get3A_72 = vector.shape_cast %get3A_71 : vector<1x16xf32> to vector<16xf32>
        %add3A_73 = arith.addf %get3A_68, %get3A_72 : vector<16xf32>
        %mul3A_74 = arith.constant 2.000000e-01 : f32
        %mul3A_75 = vector.broadcast %mul3A_74 : f32 to vector<16xf32>
        %mul3A_76 = arith.mulf %mul3A_75, %add3A_73 : vector<16xf32>
        %max3A = arith.maximumf %add3A_73, %mul3A_76 : vector<16xf32>
        %exp3A = math.exp %max3A : vector<16xf32>
        %swap3A = arith.index_cast %add3A_65 : i32 to index
        %swap3A_77 = arith.constant 0 : index
        %swap3A_78 = tpu.vector_load %arg15[%swap3A, %swap3A_77] {strides = array<i32>} : memref<200x16xf32, #tpu.memory_space<vmem>>, vector<1x16xf32>,
        %swap3A_79 = vector.shape_cast %swap3A_78 : vector<1x16xf32> to vector<16xf32>
        %swap3A_80 = vector.shape_cast %exp3A : vector<16xf32> to vector<1x16xf32>
        tpu.vector_store %arg15[%swap3A, %swap3A_77], %swap3A_80 {strides = array<i32>} : memref<200x16xf32, #tpu.memory_space<vmem>>, vector<1x16xf32>,
      }
      %scan3A_52 = arith.constant 200 : i32
      "tpu.region"() ({
        %run_scoped3A = tpu.sem_alloc : memref<!tpu.dma_semaphore, #tpu.memory_space<semaphore_mem>>
        %dma_start3A_61 = arith.constant 0 : i32
        %dma_start3A_62 = arith.constant 0 : i32
        %dma_start3A_63 = tpu.memref_slice %arg18[%dma_start3A_61, %dma_start3A_62] : memref<10000x16xf32, #tpu.memory_space<vmem_shared>> -> memref<10000x16xf32, #tpu.memory_space<vmem_shared>>
        tpu.enqueue_indirect_dma source(%arg15 : memref<200x16xf32, #tpu.memory_space<vmem>>) target(%dma_start3A_63 : memref<10000x16xf32, #tpu.memory_space<vmem_shared>>) offsets(%arg12 : memref<200xi32, #tpu.memory_space<vmem>>) semaphore(%run_scoped3A : memref<!tpu.dma_semaphore, #tpu.memory_space<semaphore_mem>>) {add = true}
        %dma_wait3A_64 = arith.constant 0 : i32
        %dma_wait3A_65 = arith.constant 0 : i32
        %dma_wait3A_66 = tpu.memref_slice %arg18[%dma_wait3A_64, %dma_wait3A_65] : memref<10000x16xf32, #tpu.memory_space<vmem_shared>> -> memref<10000x16xf32, #tpu.memory_space<vmem_shared>>
        tpu.wait_indirect_dma semaphore(%run_scoped3A : memref<!tpu.dma_semaphore, #tpu.memory_space<semaphore_mem>>) src(%arg15 : memref<200x16xf32, #tpu.memory_space<vmem>>) dst(%dma_wait3A_66 : memref<10000x16xf32, #tpu.memory_space<vmem_shared>>)
        tpu.yield
      }) : () -> ()
      %dma_wait3A_53 = arith.constant 0 : i32
      %dma_wait3A_54 = arith.constant 0 : i32
      %dma_wait3A_55 = tpu.memref_slice %arg4[%dma_wait3A_53, %dma_wait3A_54] : memref<10000x128xf32, #tpu.memory_space<hbm>> -> memref<10000x128xf32, #tpu.memory_space<hbm>>
      tpu.wait_indirect_dma semaphore(%arg21 : memref<!tpu.dma_semaphore, #tpu.memory_space<semaphore_mem>>) src(%dma_wait3A_55 : memref<10000x128xf32, #tpu.memory_space<hbm>>) dst(%arg16 : memref<200x128xf32, #tpu.memory_space<vmem>>)
      %scan3A_56 = arith.constant 0 : i32
      %scan3A_57 = arith.constant 200 : i32
      %scan3A_58 = arith.addi %scan3A_56, %scan3A_57 : i32
      %scan3A_59 = arith.constant 1 : i32
      scf.for %scan3A_61 = %scan3A_56 to %scan3A_58 step %scan3A_59  : i32 {
        %mul3A_62 = arith.constant 1 : i32
        %mul3A_63 = arith.muli %scan3A_61, %mul3A_62 : i32
        %add3A_64 = arith.constant 0 : i32
        %add3A_65 = arith.addi %add3A_64, %mul3A_63 : i32
        %get3A = arith.index_cast %add3A_65 : i32 to index
        %get3A_66 = arith.constant 0 : index
        %get3A_67 = tpu.vector_load %arg15[%get3A, %get3A_66] {strides = array<i32>} : memref<200x16xf32, #tpu.memory_space<vmem>>, vector<1x16xf32>,
        %get3A_68 = vector.shape_cast %get3A_67 : vector<1x16xf32> to vector<16xf32>
        %broadcast_in_dim3A = arith.constant 0 : i32
        %broadcast_in_dim3A_69 = vector.broadcast %broadcast_in_dim3A : i32 to vector<16x1xi32>
        %gather3A = vector.shape_cast %broadcast_in_dim3A_69 : vector<16x1xi32> to vector<16xi32>
        %gather3A_70 = tpu.dynamic_gather %get3A_68[%gather3A] in [0] : vector<16xf32>, vector<16xi32> -> vector<16xf32>
        %get3A_71 = arith.index_cast %add3A_65 : i32 to index
        %get3A_72 = arith.constant 0 : index
        %get3A_73 = tpu.vector_load %arg16[%get3A_71, %get3A_72] {strides = array<i32>} : memref<200x128xf32, #tpu.memory_space<vmem>>, vector<1x16xf32>,
        %get3A_74 = vector.shape_cast %get3A_73 : vector<1x16xf32> to vector<16xf32>
        %mul3A_75 = arith.mulf %get3A_74, %gather3A_70 : vector<16xf32>
        %swap3A = arith.index_cast %add3A_65 : i32 to index
        %swap3A_76 = arith.constant 0 : index
        %swap3A_77 = tpu.vector_load %arg16[%swap3A, %swap3A_76] {strides = array<i32>} : memref<200x128xf32, #tpu.memory_space<vmem>>, vector<1x16xf32>,
        %swap3A_78 = vector.shape_cast %swap3A_77 : vector<1x16xf32> to vector<16xf32>
        %swap3A_79 = vector.shape_cast %mul3A_75 : vector<16xf32> to vector<1x16xf32>
        tpu.vector_store %arg16[%swap3A, %swap3A_76], %swap3A_79 {strides = array<i32>} : memref<200x128xf32, #tpu.memory_space<vmem>>, vector<1x16xf32>,
        %get3A_80 = arith.index_cast %add3A_65 : i32 to index
        %get3A_81 = arith.constant 16 : index
        %get3A_82 = tpu.vector_load %arg16[%get3A_80, %get3A_81] {strides = array<i32>} : memref<200x128xf32, #tpu.memory_space<vmem>>, vector<1x16xf32>,
        %get3A_83 = vector.shape_cast %get3A_82 : vector<1x16xf32> to vector<16xf32>
        %mul3A_84 = arith.mulf %get3A_83, %gather3A_70 : vector<16xf32>
        %swap3A_85 = arith.index_cast %add3A_65 : i32 to index
        %swap3A_86 = arith.constant 16 : index
        %swap3A_87 = tpu.vector_load %arg16[%swap3A_85, %swap3A_86] {strides = array<i32>} : memref<200x128xf32, #tpu.memory_space<vmem>>, vector<1x16xf32>,
        %swap3A_88 = vector.shape_cast %swap3A_87 : vector<1x16xf32> to vector<16xf32>
        %swap3A_89 = vector.shape_cast %mul3A_84 : vector<16xf32> to vector<1x16xf32>
        tpu.vector_store %arg16[%swap3A_85, %swap3A_86], %swap3A_89 {strides = array<i32>} : memref<200x128xf32, #tpu.memory_space<vmem>>, vector<1x16xf32>,
        %broadcast_in_dim3A_90 = arith.constant 1 : i32
        %broadcast_in_dim3A_91 = vector.broadcast %broadcast_in_dim3A_90 : i32 to vector<16x1xi32>
        %gather3A_92 = vector.shape_cast %broadcast_in_dim3A_91 : vector<16x1xi32> to vector<16xi32>
        %gather3A_93 = tpu.dynamic_gather %get3A_68[%gather3A_92] in [0] : vector<16xf32>, vector<16xi32> -> vector<16xf32>
        %get3A_94 = arith.index_cast %add3A_65 : i32 to index
        %get3A_95 = arith.constant 32 : index
        %get3A_96 = tpu.vector_load %arg16[%get3A_94, %get3A_95] {strides = array<i32>} : memref<200x128xf32, #tpu.memory_space<vmem>>, vector<1x16xf32>,
        %get3A_97 = vector.shape_cast %get3A_96 : vector<1x16xf32> to vector<16xf32>
        %mul3A_98 = arith.mulf %get3A_97, %gather3A_93 : vector<16xf32>
        %swap3A_99 = arith.index_cast %add3A_65 : i32 to index
        %swap3A_100 = arith.constant 32 : index
        %swap3A_101 = tpu.vector_load %arg16[%swap3A_99, %swap3A_100] {strides = array<i32>} : memref<200x128xf32, #tpu.memory_space<vmem>>, vector<1x16xf32>,
        %swap3A_102 = vector.shape_cast %swap3A_101 : vector<1x16xf32> to vector<16xf32>
        %swap3A_103 = vector.shape_cast %mul3A_98 : vector<16xf32> to vector<1x16xf32>
        tpu.vector_store %arg16[%swap3A_99, %swap3A_100], %swap3A_103 {strides = array<i32>} : memref<200x128xf32, #tpu.memory_space<vmem>>, vector<1x16xf32>,
        %get3A_104 = arith.index_cast %add3A_65 : i32 to index
        %get3A_105 = arith.constant 48 : index
        %get3A_106 = tpu.vector_load %arg16[%get3A_104, %get3A_105] {strides = array<i32>} : memref<200x128xf32, #tpu.memory_space<vmem>>, vector<1x16xf32>,
        %get3A_107 = vector.shape_cast %get3A_106 : vector<1x16xf32> to vector<16xf32>
        %mul3A_108 = arith.mulf %get3A_107, %gather3A_93 : vector<16xf32>
        %swap3A_109 = arith.index_cast %add3A_65 : i32 to index
        %swap3A_110 = arith.constant 48 : index
        %swap3A_111 = tpu.vector_load %arg16[%swap3A_109, %swap3A_110] {strides = array<i32>} : memref<200x128xf32, #tpu.memory_space<vmem>>, vector<1x16xf32>,
        %swap3A_112 = vector.shape_cast %swap3A_111 : vector<1x16xf32> to vector<16xf32>
        %swap3A_113 = vector.shape_cast %mul3A_108 : vector<16xf32> to vector<1x16xf32>
        tpu.vector_store %arg16[%swap3A_109, %swap3A_110], %swap3A_113 {strides = array<i32>} : memref<200x128xf32, #tpu.memory_space<vmem>>, vector<1x16xf32>,
        %broadcast_in_dim3A_114 = arith.constant 2 : i32
        %broadcast_in_dim3A_115 = vector.broadcast %broadcast_in_dim3A_114 : i32 to vector<16x1xi32>
        %gather3A_116 = vector.shape_cast %broadcast_in_dim3A_115 : vector<16x1xi32> to vector<16xi32>
        %gather3A_117 = tpu.dynamic_gather %get3A_68[%gather3A_116] in [0] : vector<16xf32>, vector<16xi32> -> vector<16xf32>
        %get3A_118 = arith.index_cast %add3A_65 : i32 to index
        %get3A_119 = arith.constant 64 : index
        %get3A_120 = tpu.vector_load %arg16[%get3A_118, %get3A_119] {strides = array<i32>} : memref<200x128xf32, #tpu.memory_space<vmem>>, vector<1x16xf32>,
        %get3A_121 = vector.shape_cast %get3A_120 : vector<1x16xf32> to vector<16xf32>
        %mul3A_122 = arith.mulf %get3A_121, %gather3A_117 : vector<16xf32>
        %swap3A_123 = arith.index_cast %add3A_65 : i32 to index
        %swap3A_124 = arith.constant 64 : index
        %swap3A_125 = tpu.vector_load %arg16[%swap3A_123, %swap3A_124] {strides = array<i32>} : memref<200x128xf32, #tpu.memory_space<vmem>>, vector<1x16xf32>,
        %swap3A_126 = vector.shape_cast %swap3A_125 : vector<1x16xf32> to vector<16xf32>
        %swap3A_127 = vector.shape_cast %mul3A_122 : vector<16xf32> to vector<1x16xf32>
        tpu.vector_store %arg16[%swap3A_123, %swap3A_124], %swap3A_127 {strides = array<i32>} : memref<200x128xf32, #tpu.memory_space<vmem>>, vector<1x16xf32>,
        %get3A_128 = arith.index_cast %add3A_65 : i32 to index
        %get3A_129 = arith.constant 80 : index
        %get3A_130 = tpu.vector_load %arg16[%get3A_128, %get3A_129] {strides = array<i32>} : memref<200x128xf32, #tpu.memory_space<vmem>>, vector<1x16xf32>,
        %get3A_131 = vector.shape_cast %get3A_130 : vector<1x16xf32> to vector<16xf32>
        %mul3A_132 = arith.mulf %get3A_131, %gather3A_117 : vector<16xf32>
        %swap3A_133 = arith.index_cast %add3A_65 : i32 to index
        %swap3A_134 = arith.constant 80 : index
        %swap3A_135 = tpu.vector_load %arg16[%swap3A_133, %swap3A_134] {strides = array<i32>} : memref<200x128xf32, #tpu.memory_space<vmem>>, vector<1x16xf32>,
        %swap3A_136 = vector.shape_cast %swap3A_135 : vector<1x16xf32> to vector<16xf32>
        %swap3A_137 = vector.shape_cast %mul3A_132 : vector<16xf32> to vector<1x16xf32>
        tpu.vector_store %arg16[%swap3A_133, %swap3A_134], %swap3A_137 {strides = array<i32>} : memref<200x128xf32, #tpu.memory_space<vmem>>, vector<1x16xf32>,
        %broadcast_in_dim3A_138 = arith.constant 3 : i32
        %broadcast_in_dim3A_139 = vector.broadcast %broadcast_in_dim3A_138 : i32 to vector<16x1xi32>
        %gather3A_140 = vector.shape_cast %broadcast_in_dim3A_139 : vector<16x1xi32> to vector<16xi32>
        %gather3A_141 = tpu.dynamic_gather %get3A_68[%gather3A_140] in [0] : vector<16xf32>, vector<16xi32> -> vector<16xf32>
        %get3A_142 = arith.index_cast %add3A_65 : i32 to index
        %get3A_143 = arith.constant 96 : index
        %get3A_144 = tpu.vector_load %arg16[%get3A_142, %get3A_143] {strides = array<i32>} : memref<200x128xf32, #tpu.memory_space<vmem>>, vector<1x16xf32>,
        %get3A_145 = vector.shape_cast %get3A_144 : vector<1x16xf32> to vector<16xf32>
        %mul3A_146 = arith.mulf %get3A_145, %gather3A_141 : vector<16xf32>
        %swap3A_147 = arith.index_cast %add3A_65 : i32 to index
        %swap3A_148 = arith.constant 96 : index
        %swap3A_149 = tpu.vector_load %arg16[%swap3A_147, %swap3A_148] {strides = array<i32>} : memref<200x128xf32, #tpu.memory_space<vmem>>, vector<1x16xf32>,
        %swap3A_150 = vector.shape_cast %swap3A_149 : vector<1x16xf32> to vector<16xf32>
        %swap3A_151 = vector.shape_cast %mul3A_146 : vector<16xf32> to vector<1x16xf32>
        tpu.vector_store %arg16[%swap3A_147, %swap3A_148], %swap3A_151 {strides = array<i32>} : memref<200x128xf32, #tpu.memory_space<vmem>>, vector<1x16xf32>,
        %get3A_152 = arith.index_cast %add3A_65 : i32 to index
        %get3A_153 = arith.constant 112 : index
        %get3A_154 = tpu.vector_load %arg16[%get3A_152, %get3A_153] {strides = array<i32>} : memref<200x128xf32, #tpu.memory_space<vmem>>, vector<1x16xf32>,
        %get3A_155 = vector.shape_cast %get3A_154 : vector<1x16xf32> to vector<16xf32>
        %mul3A_156 = arith.mulf %get3A_155, %gather3A_141 : vector<16xf32>
        %swap3A_157 = arith.index_cast %add3A_65 : i32 to index
        %swap3A_158 = arith.constant 112 : index
        %swap3A_159 = tpu.vector_load %arg16[%swap3A_157, %swap3A_158] {strides = array<i32>} : memref<200x128xf32, #tpu.memory_space<vmem>>, vector<1x16xf32>,
        %swap3A_160 = vector.shape_cast %swap3A_159 : vector<1x16xf32> to vector<16xf32>
        %swap3A_161 = vector.shape_cast %mul3A_156 : vector<16xf32> to vector<1x16xf32>
        tpu.vector_store %arg16[%swap3A_157, %swap3A_158], %swap3A_161 {strides = array<i32>} : memref<200x128xf32, #tpu.memory_space<vmem>>, vector<1x16xf32>,
      }
      %scan3A_60 = arith.constant 200 : i32
      "tpu.region"() ({
        %run_scoped3A = tpu.sem_alloc : memref<!tpu.dma_semaphore, #tpu.memory_space<semaphore_mem>>
        %dma_start3A_61 = arith.constant 0 : i32
        %dma_start3A_62 = arith.constant 0 : i32
        %dma_start3A_63 = tpu.memref_slice %arg17[%dma_start3A_61, %dma_start3A_62] : memref<10000x128xf32, #tpu.memory_space<vmem_shared>> -> memref<10000x128xf32, #tpu.memory_space<vmem_shared>>
        tpu.enqueue_indirect_dma source(%arg16 : memref<200x128xf32, #tpu.memory_space<vmem>>) target(%dma_start3A_63 : memref<10000x128xf32, #tpu.memory_space<vmem_shared>>) offsets(%arg12 : memref<200xi32, #tpu.memory_space<vmem>>) semaphore(%run_scoped3A : memref<!tpu.dma_semaphore, #tpu.memory_space<semaphore_mem>>) {add = true}
        %dma_wait3A_64 = arith.constant 0 : i32
        %dma_wait3A_65 = arith.constant 0 : i32
        %dma_wait3A_66 = tpu.memref_slice %arg17[%dma_wait3A_64, %dma_wait3A_65] : memref<10000x128xf32, #tpu.memory_space<vmem_shared>> -> memref<10000x128xf32, #tpu.memory_space<vmem_shared>>
        tpu.wait_indirect_dma semaphore(%run_scoped3A : memref<!tpu.dma_semaphore, #tpu.memory_space<semaphore_mem>>) src(%arg16 : memref<200x128xf32, #tpu.memory_space<vmem>>) dst(%dma_wait3A_66 : memref<10000x128xf32, #tpu.memory_space<vmem_shared>>)
        tpu.yield
      }) : () -> ()
    }
    %scan3A_15 = arith.constant 50 : i32
    %barrier3A_16 = arith.constant 0 : index
    tpu.barrier barrier_id(%barrier3A_16)
    "tpu.region"() ({
      %run_scoped3A = tpu.sem_alloc : memref<!tpu.dma_semaphore, #tpu.memory_space<semaphore_mem>>
      %dma_start3A = arith.constant 0 : i32
      %dma_start3A_27 = tpu.memref_slice %arg9[%arg0, %mul3A_0, %dma_start3A] : memref<2x10000x128xf32, #tpu.memory_space<hbm>> -> memref<1x624x128xf32, #tpu.memory_space<hbm>>
      %dma_start3A_28 = tpu.memref_squeeze %dma_start3A_27 : memref<1x624x128xf32, #tpu.memory_space<hbm>> -> memref<624x128xf32, #tpu.memory_space<hbm>>
      %dma_start3A_29 = arith.constant 0 : i32
      %dma_start3A_30 = tpu.memref_slice %arg17[%mul3A_0, %dma_start3A_29] : memref<10000x128xf32, #tpu.memory_space<vmem_shared>> -> memref<624x128xf32, #tpu.memory_space<vmem_shared>>
      tpu.enqueue_dma source(%dma_start3A_30 : memref<624x128xf32, #tpu.memory_space<vmem_shared>>) target(%dma_start3A_28 : memref<624x128xf32, #tpu.memory_space<hbm>>) target_semaphore(%run_scoped3A : memref<!tpu.dma_semaphore, #tpu.memory_space<semaphore_mem>>)
      %dma_wait3A = arith.constant 0 : i32
      %dma_wait3A_31 = tpu.memref_slice %arg9[%arg0, %mul3A_0, %dma_wait3A] : memref<2x10000x128xf32, #tpu.memory_space<hbm>> -> memref<1x624x128xf32, #tpu.memory_space<hbm>>
      %dma_wait3A_32 = tpu.memref_squeeze %dma_wait3A_31 : memref<1x624x128xf32, #tpu.memory_space<hbm>> -> memref<624x128xf32, #tpu.memory_space<hbm>>
      %dma_wait3A_33 = arith.constant 0 : i32
      %dma_wait3A_34 = tpu.memref_slice %arg17[%mul3A_0, %dma_wait3A_33] : memref<10000x128xf32, #tpu.memory_space<vmem_shared>> -> memref<624x128xf32, #tpu.memory_space<vmem_shared>>
      tpu.wait_dma2 semaphore(%run_scoped3A : memref<!tpu.dma_semaphore, #tpu.memory_space<semaphore_mem>>) src(%dma_wait3A_34 : memref<624x128xf32, #tpu.memory_space<vmem_shared>>) dst(%dma_wait3A_32 : memref<624x128xf32, #tpu.memory_space<hbm>>)
      tpu.yield
    }) : () -> ()
    %eq3A_17 = arith.constant 15 : i32
    %eq3A_18 = arith.cmpi eq, %arg1, %eq3A_17 : i32
    %convert_element_type3A_19 = arith.extui %eq3A_18 : i1 to i32
    %cond3A_20 = arith.constant 0 : i32
    %cond3A_21 = arith.cmpi ne, %convert_element_type3A_19, %cond3A_20 : i32
    scf.if %cond3A_21 {
      "tpu.region"() ({
        %run_scoped3A = tpu.sem_alloc : memref<!tpu.dma_semaphore, #tpu.memory_space<semaphore_mem>>
        %dma_start3A = arith.constant 9984 : i32
        %dma_start3A_27 = arith.constant 0 : i32
        %dma_start3A_28 = tpu.memref_slice %arg9[%arg0, %dma_start3A, %dma_start3A_27] : memref<2x10000x128xf32, #tpu.memory_space<hbm>> -> memref<1x16x128xf32, #tpu.memory_space<hbm>>
        %dma_start3A_29 = tpu.memref_squeeze %dma_start3A_28 : memref<1x16x128xf32, #tpu.memory_space<hbm>> -> memref<16x128xf32, #tpu.memory_space<hbm>>
        %dma_start3A_30 = arith.constant 9984 : i32
        %dma_start3A_31 = arith.constant 0 : i32
        %dma_start3A_32 = tpu.memref_slice %arg17[%dma_start3A_30, %dma_start3A_31] : memref<10000x128xf32, #tpu.memory_space<vmem_shared>> -> memref<16x128xf32, #tpu.memory_space<vmem_shared>>
        tpu.enqueue_dma source(%dma_start3A_32 : memref<16x128xf32, #tpu.memory_space<vmem_shared>>) target(%dma_start3A_29 : memref<16x128xf32, #tpu.memory_space<hbm>>) target_semaphore(%run_scoped3A : memref<!tpu.dma_semaphore, #tpu.memory_space<semaphore_mem>>)
        %dma_wait3A = arith.constant 9984 : i32
        %dma_wait3A_33 = arith.constant 0 : i32
        %dma_wait3A_34 = tpu.memref_slice %arg9[%arg0, %dma_wait3A, %dma_wait3A_33] : memref<2x10000x128xf32, #tpu.memory_space<hbm>> -> memref<1x16x128xf32, #tpu.memory_space<hbm>>
        %dma_wait3A_35 = tpu.memref_squeeze %dma_wait3A_34 : memref<1x16x128xf32, #tpu.memory_space<hbm>> -> memref<16x128xf32, #tpu.memory_space<hbm>>
        %dma_wait3A_36 = arith.constant 9984 : i32
        %dma_wait3A_37 = arith.constant 0 : i32
        %dma_wait3A_38 = tpu.memref_slice %arg17[%dma_wait3A_36, %dma_wait3A_37] : memref<10000x128xf32, #tpu.memory_space<vmem_shared>> -> memref<16x128xf32, #tpu.memory_space<vmem_shared>>
        tpu.wait_dma2 semaphore(%run_scoped3A : memref<!tpu.dma_semaphore, #tpu.memory_space<semaphore_mem>>) src(%dma_wait3A_38 : memref<16x128xf32, #tpu.memory_space<vmem_shared>>) dst(%dma_wait3A_35 : memref<16x128xf32, #tpu.memory_space<hbm>>)
        tpu.yield
      }) : () -> ()
    } else {
    }
    "tpu.region"() ({
      %run_scoped3A = tpu.sem_alloc : memref<!tpu.dma_semaphore, #tpu.memory_space<semaphore_mem>>
      %dma_start3A = arith.constant 0 : i32
      %dma_start3A_27 = tpu.memref_slice %arg10[%arg0, %mul3A_0, %dma_start3A] : memref<2x10000x16xf32, #tpu.memory_space<hbm>> -> memref<1x624x16xf32, #tpu.memory_space<hbm>>
      %dma_start3A_28 = tpu.memref_squeeze %dma_start3A_27 : memref<1x624x16xf32, #tpu.memory_space<hbm>> -> memref<624x16xf32, #tpu.memory_space<hbm>>
      %dma_start3A_29 = arith.constant 0 : i32
      %dma_start3A_30 = tpu.memref_slice %arg18[%mul3A_0, %dma_start3A_29] : memref<10000x16xf32, #tpu.memory_space<vmem_shared>> -> memref<624x16xf32, #tpu.memory_space<vmem_shared>>
      tpu.enqueue_dma source(%dma_start3A_30 : memref<624x16xf32, #tpu.memory_space<vmem_shared>>) target(%dma_start3A_28 : memref<624x16xf32, #tpu.memory_space<hbm>>) target_semaphore(%run_scoped3A : memref<!tpu.dma_semaphore, #tpu.memory_space<semaphore_mem>>)
      %dma_wait3A = arith.constant 0 : i32
      %dma_wait3A_31 = tpu.memref_slice %arg10[%arg0, %mul3A_0, %dma_wait3A] : memref<2x10000x16xf32, #tpu.memory_space<hbm>> -> memref<1x624x16xf32, #tpu.memory_space<hbm>>
      %dma_wait3A_32 = tpu.memref_squeeze %dma_wait3A_31 : memref<1x624x16xf32, #tpu.memory_space<hbm>> -> memref<624x16xf32, #tpu.memory_space<hbm>>
      %dma_wait3A_33 = arith.constant 0 : i32
      %dma_wait3A_34 = tpu.memref_slice %arg18[%mul3A_0, %dma_wait3A_33] : memref<10000x16xf32, #tpu.memory_space<vmem_shared>> -> memref<624x16xf32, #tpu.memory_space<vmem_shared>>
      tpu.wait_dma2 semaphore(%run_scoped3A : memref<!tpu.dma_semaphore, #tpu.memory_space<semaphore_mem>>) src(%dma_wait3A_34 : memref<624x16xf32, #tpu.memory_space<vmem_shared>>) dst(%dma_wait3A_32 : memref<624x16xf32, #tpu.memory_space<hbm>>)
      tpu.yield
    }) : () -> ()
    %eq3A_22 = arith.constant 15 : i32
    %eq3A_23 = arith.cmpi eq, %arg1, %eq3A_22 : i32
    %convert_element_type3A_24 = arith.extui %eq3A_23 : i1 to i32
    %cond3A_25 = arith.constant 0 : i32
    %cond3A_26 = arith.cmpi ne, %convert_element_type3A_24, %cond3A_25 : i32
    scf.if %cond3A_26 {
      "tpu.region"() ({
        %run_scoped3A = tpu.sem_alloc : memref<!tpu.dma_semaphore, #tpu.memory_space<semaphore_mem>>
        %dma_start3A = arith.constant 9984 : i32
        %dma_start3A_27 = arith.constant 0 : i32
        %dma_start3A_28 = tpu.memref_slice %arg10[%arg0, %dma_start3A, %dma_start3A_27] : memref<2x10000x16xf32, #tpu.memory_space<hbm>> -> memref<1x16x16xf32, #tpu.memory_space<hbm>>
        %dma_start3A_29 = tpu.memref_squeeze %dma_start3A_28 : memref<1x16x16xf32, #tpu.memory_space<hbm>> -> memref<16x16xf32, #tpu.memory_space<hbm>>
        %dma_start3A_30 = arith.constant 9984 : i32
        %dma_start3A_31 = arith.constant 0 : i32
        %dma_start3A_32 = tpu.memref_slice %arg18[%dma_start3A_30, %dma_start3A_31] : memref<10000x16xf32, #tpu.memory_space<vmem_shared>> -> memref<16x16xf32, #tpu.memory_space<vmem_shared>>
        tpu.enqueue_dma source(%dma_start3A_32 : memref<16x16xf32, #tpu.memory_space<vmem_shared>>) target(%dma_start3A_29 : memref<16x16xf32, #tpu.memory_space<hbm>>) target_semaphore(%run_scoped3A : memref<!tpu.dma_semaphore, #tpu.memory_space<semaphore_mem>>)
        %dma_wait3A = arith.constant 9984 : i32
        %dma_wait3A_33 = arith.constant 0 : i32
        %dma_wait3A_34 = tpu.memref_slice %arg10[%arg0, %dma_wait3A, %dma_wait3A_33] : memref<2x10000x16xf32, #tpu.memory_space<hbm>> -> memref<1x16x16xf32, #tpu.memory_space<hbm>>
        %dma_wait3A_35 = tpu.memref_squeeze %dma_wait3A_34 : memref<1x16x16xf32, #tpu.memory_space<hbm>> -> memref<16x16xf32, #tpu.memory_space<hbm>>
        %dma_wait3A_36 = arith.constant 9984 : i32
        %dma_wait3A_37 = arith.constant 0 : i32
        %dma_wait3A_38 = tpu.memref_slice %arg18[%dma_wait3A_36, %dma_wait3A_37] : memref<10000x16xf32, #tpu.memory_space<vmem_shared>> -> memref<16x16xf32, #tpu.memory_space<vmem_shared>>
        tpu.wait_dma2 semaphore(%run_scoped3A : memref<!tpu.dma_semaphore, #tpu.memory_space<semaphore_mem>>) src(%dma_wait3A_38 : memref<16x16xf32, #tpu.memory_space<vmem_shared>>) dst(%dma_wait3A_35 : memref<16x16xf32, #tpu.memory_space<hbm>>)
        tpu.yield
      }) : () -> ()
    } else {
    }
    return
  }
}

#map = affine_map<(d0, d1) -> (0)>
#map1 = affine_map<(d0, d1) -> (0, 0)>
#map2 = affine_map<(d0, d1) -> (0, 0, 0)>
module attributes {stable_mosaic.version = 14 : i64} {
  func.func @_edge_body(%arg0: i32, %arg1: i32, %arg2: memref<320000xi32, #tpu.memory_space<hbm>>, %arg3: memref<320000xi32, #tpu.memory_space<hbm>>, %arg4: memref<10000x64xf32, #tpu.memory_space<hbm>>, %arg5: memref<10000x16xf32, #tpu.memory_space<hbm>>, %arg6: memref<10000x16xf32, #tpu.memory_space<hbm>>, %arg7: memref<10000x64xf32, #tpu.memory_space<hbm>>, %arg8: memref<10000x16xf32, #tpu.memory_space<hbm>>, %arg9: memref<2x10000x64xf32, #tpu.memory_space<hbm>>, %arg10: memref<2x10000x16xf32, #tpu.memory_space<hbm>>, %arg11: memref<200xi32, #tpu.memory_space<vmem>>, %arg12: memref<200xi32, #tpu.memory_space<vmem>>, %arg13: memref<200x16xf32, #tpu.memory_space<vmem>>, %arg14: memref<200x16xf32, #tpu.memory_space<vmem>>, %arg15: memref<200x16xf32, #tpu.memory_space<vmem>>, %arg16: memref<200x64xf32, #tpu.memory_space<vmem>>, %arg17: memref<10000x64xf32, #tpu.memory_space<vmem_shared>>, %arg18: memref<10000x16xf32, #tpu.memory_space<vmem_shared>>, %arg19: memref<!tpu.dma_semaphore, #tpu.memory_space<semaphore_mem>>, %arg20: memref<!tpu.dma_semaphore, #tpu.memory_space<semaphore_mem>>, %arg21: memref<!tpu.dma_semaphore, #tpu.memory_space<semaphore_mem>>) attributes {dimension_semantics = [#tpu.dimension_semantics<core_parallel>, #tpu.dimension_semantics<subcore_parallel>], iteration_bounds = array<i64: 2, 16>, scalar_prefetch = 0 : i64, scratch_operands = 11 : i64, tpu.core_type = #tpu.core_type<sc_vector_subcore>, window_params = [{transform_indices = #map}, {transform_indices = #map}, {transform_indices = #map1}, {transform_indices = #map1}, {transform_indices = #map1}, {transform_indices = #map1}, {transform_indices = #map1}, {transform_indices = #map2}, {transform_indices = #map2}]} {
    %mul3A = arith.constant 624 : i32
    %mul3A_0 = arith.muli %arg1, %mul3A : i32
    "tpu.region"() ({
      %run_scoped3A = tpu.sem_alloc : memref<!tpu.dma_semaphore, #tpu.memory_space<semaphore_mem>>
      %dma_start3A = arith.constant 0 : i32
      %dma_start3A_27 = tpu.memref_slice %arg17[%mul3A_0, %dma_start3A] : memref<10000x64xf32, #tpu.memory_space<vmem_shared>> -> memref<624x64xf32, #tpu.memory_space<vmem_shared>>
      %dma_start3A_28 = arith.constant 0 : i32
      %dma_start3A_29 = tpu.memref_slice %arg7[%mul3A_0, %dma_start3A_28] : memref<10000x64xf32, #tpu.memory_space<hbm>> -> memref<624x64xf32, #tpu.memory_space<hbm>>
      tpu.enqueue_dma source(%dma_start3A_29 : memref<624x64xf32, #tpu.memory_space<hbm>>) target(%dma_start3A_27 : memref<624x64xf32, #tpu.memory_space<vmem_shared>>) target_semaphore(%run_scoped3A : memref<!tpu.dma_semaphore, #tpu.memory_space<semaphore_mem>>)
      %dma_wait3A = arith.constant 0 : i32
      %dma_wait3A_30 = tpu.memref_slice %arg17[%mul3A_0, %dma_wait3A] : memref<10000x64xf32, #tpu.memory_space<vmem_shared>> -> memref<624x64xf32, #tpu.memory_space<vmem_shared>>
      %dma_wait3A_31 = arith.constant 0 : i32
      %dma_wait3A_32 = tpu.memref_slice %arg7[%mul3A_0, %dma_wait3A_31] : memref<10000x64xf32, #tpu.memory_space<hbm>> -> memref<624x64xf32, #tpu.memory_space<hbm>>
      tpu.wait_dma2 semaphore(%run_scoped3A : memref<!tpu.dma_semaphore, #tpu.memory_space<semaphore_mem>>) src(%dma_wait3A_32 : memref<624x64xf32, #tpu.memory_space<hbm>>) dst(%dma_wait3A_30 : memref<624x64xf32, #tpu.memory_space<vmem_shared>>)
      tpu.yield
    }) : () -> ()
    %eq3A = arith.constant 15 : i32
    %eq3A_1 = arith.cmpi eq, %arg1, %eq3A : i32
    %convert_element_type3A = arith.extui %eq3A_1 : i1 to i32
    %cond3A = arith.constant 0 : i32
    %cond3A_2 = arith.cmpi ne, %convert_element_type3A, %cond3A : i32
    scf.if %cond3A_2 {
      "tpu.region"() ({
        %run_scoped3A = tpu.sem_alloc : memref<!tpu.dma_semaphore, #tpu.memory_space<semaphore_mem>>
        %dma_start3A = arith.constant 9984 : i32
        %dma_start3A_27 = arith.constant 0 : i32
        %dma_start3A_28 = tpu.memref_slice %arg17[%dma_start3A, %dma_start3A_27] : memref<10000x64xf32, #tpu.memory_space<vmem_shared>> -> memref<16x64xf32, #tpu.memory_space<vmem_shared>>
        %dma_start3A_29 = arith.constant 9984 : i32
        %dma_start3A_30 = arith.constant 0 : i32
        %dma_start3A_31 = tpu.memref_slice %arg7[%dma_start3A_29, %dma_start3A_30] : memref<10000x64xf32, #tpu.memory_space<hbm>> -> memref<16x64xf32, #tpu.memory_space<hbm>>
        tpu.enqueue_dma source(%dma_start3A_31 : memref<16x64xf32, #tpu.memory_space<hbm>>) target(%dma_start3A_28 : memref<16x64xf32, #tpu.memory_space<vmem_shared>>) target_semaphore(%run_scoped3A : memref<!tpu.dma_semaphore, #tpu.memory_space<semaphore_mem>>)
        %dma_wait3A = arith.constant 9984 : i32
        %dma_wait3A_32 = arith.constant 0 : i32
        %dma_wait3A_33 = tpu.memref_slice %arg17[%dma_wait3A, %dma_wait3A_32] : memref<10000x64xf32, #tpu.memory_space<vmem_shared>> -> memref<16x64xf32, #tpu.memory_space<vmem_shared>>
        %dma_wait3A_34 = arith.constant 9984 : i32
        %dma_wait3A_35 = arith.constant 0 : i32
        %dma_wait3A_36 = tpu.memref_slice %arg7[%dma_wait3A_34, %dma_wait3A_35] : memref<10000x64xf32, #tpu.memory_space<hbm>> -> memref<16x64xf32, #tpu.memory_space<hbm>>
        tpu.wait_dma2 semaphore(%run_scoped3A : memref<!tpu.dma_semaphore, #tpu.memory_space<semaphore_mem>>) src(%dma_wait3A_36 : memref<16x64xf32, #tpu.memory_space<hbm>>) dst(%dma_wait3A_33 : memref<16x64xf32, #tpu.memory_space<vmem_shared>>)
        tpu.yield
      }) : () -> ()
    } else {
    }
    "tpu.region"() ({
      %run_scoped3A = tpu.sem_alloc : memref<!tpu.dma_semaphore, #tpu.memory_space<semaphore_mem>>
      %dma_start3A = arith.constant 0 : i32
      %dma_start3A_27 = tpu.memref_slice %arg18[%mul3A_0, %dma_start3A] : memref<10000x16xf32, #tpu.memory_space<vmem_shared>> -> memref<624x16xf32, #tpu.memory_space<vmem_shared>>
      %dma_start3A_28 = arith.constant 0 : i32
      %dma_start3A_29 = tpu.memref_slice %arg8[%mul3A_0, %dma_start3A_28] : memref<10000x16xf32, #tpu.memory_space<hbm>> -> memref<624x16xf32, #tpu.memory_space<hbm>>
      tpu.enqueue_dma source(%dma_start3A_29 : memref<624x16xf32, #tpu.memory_space<hbm>>) target(%dma_start3A_27 : memref<624x16xf32, #tpu.memory_space<vmem_shared>>) target_semaphore(%run_scoped3A : memref<!tpu.dma_semaphore, #tpu.memory_space<semaphore_mem>>)
      %dma_wait3A = arith.constant 0 : i32
      %dma_wait3A_30 = tpu.memref_slice %arg18[%mul3A_0, %dma_wait3A] : memref<10000x16xf32, #tpu.memory_space<vmem_shared>> -> memref<624x16xf32, #tpu.memory_space<vmem_shared>>
      %dma_wait3A_31 = arith.constant 0 : i32
      %dma_wait3A_32 = tpu.memref_slice %arg8[%mul3A_0, %dma_wait3A_31] : memref<10000x16xf32, #tpu.memory_space<hbm>> -> memref<624x16xf32, #tpu.memory_space<hbm>>
      tpu.wait_dma2 semaphore(%run_scoped3A : memref<!tpu.dma_semaphore, #tpu.memory_space<semaphore_mem>>) src(%dma_wait3A_32 : memref<624x16xf32, #tpu.memory_space<hbm>>) dst(%dma_wait3A_30 : memref<624x16xf32, #tpu.memory_space<vmem_shared>>)
      tpu.yield
    }) : () -> ()
    %eq3A_3 = arith.constant 15 : i32
    %eq3A_4 = arith.cmpi eq, %arg1, %eq3A_3 : i32
    %convert_element_type3A_5 = arith.extui %eq3A_4 : i1 to i32
    %cond3A_6 = arith.constant 0 : i32
    %cond3A_7 = arith.cmpi ne, %convert_element_type3A_5, %cond3A_6 : i32
    scf.if %cond3A_7 {
      "tpu.region"() ({
        %run_scoped3A = tpu.sem_alloc : memref<!tpu.dma_semaphore, #tpu.memory_space<semaphore_mem>>
        %dma_start3A = arith.constant 9984 : i32
        %dma_start3A_27 = arith.constant 0 : i32
        %dma_start3A_28 = tpu.memref_slice %arg18[%dma_start3A, %dma_start3A_27] : memref<10000x16xf32, #tpu.memory_space<vmem_shared>> -> memref<16x16xf32, #tpu.memory_space<vmem_shared>>
        %dma_start3A_29 = arith.constant 9984 : i32
        %dma_start3A_30 = arith.constant 0 : i32
        %dma_start3A_31 = tpu.memref_slice %arg8[%dma_start3A_29, %dma_start3A_30] : memref<10000x16xf32, #tpu.memory_space<hbm>> -> memref<16x16xf32, #tpu.memory_space<hbm>>
        tpu.enqueue_dma source(%dma_start3A_31 : memref<16x16xf32, #tpu.memory_space<hbm>>) target(%dma_start3A_28 : memref<16x16xf32, #tpu.memory_space<vmem_shared>>) target_semaphore(%run_scoped3A : memref<!tpu.dma_semaphore, #tpu.memory_space<semaphore_mem>>)
        %dma_wait3A = arith.constant 9984 : i32
        %dma_wait3A_32 = arith.constant 0 : i32
        %dma_wait3A_33 = tpu.memref_slice %arg18[%dma_wait3A, %dma_wait3A_32] : memref<10000x16xf32, #tpu.memory_space<vmem_shared>> -> memref<16x16xf32, #tpu.memory_space<vmem_shared>>
        %dma_wait3A_34 = arith.constant 9984 : i32
        %dma_wait3A_35 = arith.constant 0 : i32
        %dma_wait3A_36 = tpu.memref_slice %arg8[%dma_wait3A_34, %dma_wait3A_35] : memref<10000x16xf32, #tpu.memory_space<hbm>> -> memref<16x16xf32, #tpu.memory_space<hbm>>
        tpu.wait_dma2 semaphore(%run_scoped3A : memref<!tpu.dma_semaphore, #tpu.memory_space<semaphore_mem>>) src(%dma_wait3A_36 : memref<16x16xf32, #tpu.memory_space<hbm>>) dst(%dma_wait3A_33 : memref<16x16xf32, #tpu.memory_space<vmem_shared>>)
        tpu.yield
      }) : () -> ()
    } else {
    }
    %barrier3A = arith.constant 0 : index
    tpu.barrier barrier_id(%barrier3A)
    %mul3A_8 = arith.constant 16 : i32
    %mul3A_9 = arith.muli %arg0, %mul3A_8 : i32
    %add3A = arith.addi %mul3A_9, %arg1 : i32
    %mul3A_10 = arith.constant 10000 : i32
    %mul3A_11 = arith.muli %add3A, %mul3A_10 : i32
    %scan3A = arith.constant 0 : i32
    %scan3A_12 = arith.constant 50 : i32
    %scan3A_13 = arith.addi %scan3A, %scan3A_12 : i32
    %scan3A_14 = arith.constant 1 : i32
    scf.for %scan3A_27 = %scan3A to %scan3A_13 step %scan3A_14  : i32 {
      %mul3A_28 = arith.constant 1 : i32
      %mul3A_29 = arith.muli %scan3A_27, %mul3A_28 : i32
      %add3A_30 = arith.constant 0 : i32
      %add3A_31 = arith.addi %add3A_30, %mul3A_29 : i32
      %mul3A_32 = arith.constant 200 : i32
      %mul3A_33 = arith.muli %add3A_31, %mul3A_32 : i32
      %add3A_34 = arith.addi %mul3A_11, %mul3A_33 : i32
      "tpu.region"() ({
        %run_scoped3A = tpu.sem_alloc : memref<!tpu.dma_semaphore, #tpu.memory_space<semaphore_mem>>
        %dma_start3A_61 = tpu.memref_slice %arg2[%add3A_34] : memref<320000xi32, #tpu.memory_space<hbm>> -> memref<200xi32, #tpu.memory_space<hbm>>
        %dma_start3A_62 = tpu.memref_slice %arg2[%add3A_34] : memref<320000xi32, #tpu.memory_space<hbm>> -> memref<200xi32, #tpu.memory_space<hbm>>
        tpu.enqueue_dma source(%dma_start3A_62 : memref<200xi32, #tpu.memory_space<hbm>>) target(%arg11 : memref<200xi32, #tpu.memory_space<vmem>>) target_semaphore(%run_scoped3A : memref<!tpu.dma_semaphore, #tpu.memory_space<semaphore_mem>>)
        %dma_wait3A_63 = tpu.memref_slice %arg2[%add3A_34] : memref<320000xi32, #tpu.memory_space<hbm>> -> memref<200xi32, #tpu.memory_space<hbm>>
        %dma_wait3A_64 = tpu.memref_slice %arg2[%add3A_34] : memref<320000xi32, #tpu.memory_space<hbm>> -> memref<200xi32, #tpu.memory_space<hbm>>
        tpu.wait_dma2 semaphore(%run_scoped3A : memref<!tpu.dma_semaphore, #tpu.memory_space<semaphore_mem>>) src(%dma_wait3A_64 : memref<200xi32, #tpu.memory_space<hbm>>) dst(%arg11 : memref<200xi32, #tpu.memory_space<vmem>>)
        tpu.yield
      }) : () -> ()
      "tpu.region"() ({
        %run_scoped3A = tpu.sem_alloc : memref<!tpu.dma_semaphore, #tpu.memory_space<semaphore_mem>>
        %dma_start3A_61 = tpu.memref_slice %arg3[%add3A_34] : memref<320000xi32, #tpu.memory_space<hbm>> -> memref<200xi32, #tpu.memory_space<hbm>>
        %dma_start3A_62 = tpu.memref_slice %arg3[%add3A_34] : memref<320000xi32, #tpu.memory_space<hbm>> -> memref<200xi32, #tpu.memory_space<hbm>>
        tpu.enqueue_dma source(%dma_start3A_62 : memref<200xi32, #tpu.memory_space<hbm>>) target(%arg12 : memref<200xi32, #tpu.memory_space<vmem>>) target_semaphore(%run_scoped3A : memref<!tpu.dma_semaphore, #tpu.memory_space<semaphore_mem>>)
        %dma_wait3A_63 = tpu.memref_slice %arg3[%add3A_34] : memref<320000xi32, #tpu.memory_space<hbm>> -> memref<200xi32, #tpu.memory_space<hbm>>
        %dma_wait3A_64 = tpu.memref_slice %arg3[%add3A_34] : memref<320000xi32, #tpu.memory_space<hbm>> -> memref<200xi32, #tpu.memory_space<hbm>>
        tpu.wait_dma2 semaphore(%run_scoped3A : memref<!tpu.dma_semaphore, #tpu.memory_space<semaphore_mem>>) src(%dma_wait3A_64 : memref<200xi32, #tpu.memory_space<hbm>>) dst(%arg12 : memref<200xi32, #tpu.memory_space<vmem>>)
        tpu.yield
      }) : () -> ()
      %dma_start3A = arith.constant 0 : i32
      %dma_start3A_35 = arith.constant 0 : i32
      %dma_start3A_36 = tpu.memref_slice %arg5[%dma_start3A, %dma_start3A_35] : memref<10000x16xf32, #tpu.memory_space<hbm>> -> memref<10000x16xf32, #tpu.memory_space<hbm>>
      tpu.enqueue_indirect_dma source(%dma_start3A_36 : memref<10000x16xf32, #tpu.memory_space<hbm>>) target(%arg13 : memref<200x16xf32, #tpu.memory_space<vmem>>) offsets(%arg11 : memref<200xi32, #tpu.memory_space<vmem>>) semaphore(%arg19 : memref<!tpu.dma_semaphore, #tpu.memory_space<semaphore_mem>>)
      %dma_start3A_37 = arith.constant 0 : i32
      %dma_start3A_38 = arith.constant 0 : i32
      %dma_start3A_39 = tpu.memref_slice %arg6[%dma_start3A_37, %dma_start3A_38] : memref<10000x16xf32, #tpu.memory_space<hbm>> -> memref<10000x16xf32, #tpu.memory_space<hbm>>
      tpu.enqueue_indirect_dma source(%dma_start3A_39 : memref<10000x16xf32, #tpu.memory_space<hbm>>) target(%arg14 : memref<200x16xf32, #tpu.memory_space<vmem>>) offsets(%arg12 : memref<200xi32, #tpu.memory_space<vmem>>) semaphore(%arg20 : memref<!tpu.dma_semaphore, #tpu.memory_space<semaphore_mem>>)
      %dma_start3A_40 = arith.constant 0 : i32
      %dma_start3A_41 = arith.constant 0 : i32
      %dma_start3A_42 = tpu.memref_slice %arg4[%dma_start3A_40, %dma_start3A_41] : memref<10000x64xf32, #tpu.memory_space<hbm>> -> memref<10000x64xf32, #tpu.memory_space<hbm>>
      tpu.enqueue_indirect_dma source(%dma_start3A_42 : memref<10000x64xf32, #tpu.memory_space<hbm>>) target(%arg16 : memref<200x64xf32, #tpu.memory_space<vmem>>) offsets(%arg11 : memref<200xi32, #tpu.memory_space<vmem>>) semaphore(%arg21 : memref<!tpu.dma_semaphore, #tpu.memory_space<semaphore_mem>>)
      %dma_wait3A = arith.constant 0 : i32
      %dma_wait3A_43 = arith.constant 0 : i32
      %dma_wait3A_44 = tpu.memref_slice %arg5[%dma_wait3A, %dma_wait3A_43] : memref<10000x16xf32, #tpu.memory_space<hbm>> -> memref<10000x16xf32, #tpu.memory_space<hbm>>
      tpu.wait_indirect_dma semaphore(%arg19 : memref<!tpu.dma_semaphore, #tpu.memory_space<semaphore_mem>>) src(%dma_wait3A_44 : memref<10000x16xf32, #tpu.memory_space<hbm>>) dst(%arg13 : memref<200x16xf32, #tpu.memory_space<vmem>>)
      %dma_wait3A_45 = arith.constant 0 : i32
      %dma_wait3A_46 = arith.constant 0 : i32
      %dma_wait3A_47 = tpu.memref_slice %arg6[%dma_wait3A_45, %dma_wait3A_46] : memref<10000x16xf32, #tpu.memory_space<hbm>> -> memref<10000x16xf32, #tpu.memory_space<hbm>>
      tpu.wait_indirect_dma semaphore(%arg20 : memref<!tpu.dma_semaphore, #tpu.memory_space<semaphore_mem>>) src(%dma_wait3A_47 : memref<10000x16xf32, #tpu.memory_space<hbm>>) dst(%arg14 : memref<200x16xf32, #tpu.memory_space<vmem>>)
      %scan3A_48 = arith.constant 0 : i32
      %scan3A_49 = arith.constant 200 : i32
      %scan3A_50 = arith.addi %scan3A_48, %scan3A_49 : i32
      %scan3A_51 = arith.constant 1 : i32
      scf.for %scan3A_61 = %scan3A_48 to %scan3A_50 step %scan3A_51  : i32 {
        %mul3A_62 = arith.constant 1 : i32
        %mul3A_63 = arith.muli %scan3A_61, %mul3A_62 : i32
        %add3A_64 = arith.constant 0 : i32
        %add3A_65 = arith.addi %add3A_64, %mul3A_63 : i32
        %get3A = arith.index_cast %add3A_65 : i32 to index
        %get3A_66 = arith.constant 0 : index
        %get3A_67 = tpu.vector_load %arg13[%get3A, %get3A_66] {strides = array<i32>} : memref<200x16xf32, #tpu.memory_space<vmem>>, vector<1x16xf32>,
        %get3A_68 = vector.shape_cast %get3A_67 : vector<1x16xf32> to vector<16xf32>
        %get3A_69 = arith.index_cast %add3A_65 : i32 to index
        %get3A_70 = arith.constant 0 : index
        %get3A_71 = tpu.vector_load %arg14[%get3A_69, %get3A_70] {strides = array<i32>} : memref<200x16xf32, #tpu.memory_space<vmem>>, vector<1x16xf32>,
        %get3A_72 = vector.shape_cast %get3A_71 : vector<1x16xf32> to vector<16xf32>
        %add3A_73 = arith.addf %get3A_68, %get3A_72 : vector<16xf32>
        %mul3A_74 = arith.constant 2.000000e-01 : f32
        %mul3A_75 = vector.broadcast %mul3A_74 : f32 to vector<16xf32>
        %mul3A_76 = arith.mulf %mul3A_75, %add3A_73 : vector<16xf32>
        %max3A = arith.maximumf %add3A_73, %mul3A_76 : vector<16xf32>
        %exp3A = math.exp %max3A : vector<16xf32>
        %swap3A = arith.index_cast %add3A_65 : i32 to index
        %swap3A_77 = arith.constant 0 : index
        %swap3A_78 = tpu.vector_load %arg15[%swap3A, %swap3A_77] {strides = array<i32>} : memref<200x16xf32, #tpu.memory_space<vmem>>, vector<1x16xf32>,
        %swap3A_79 = vector.shape_cast %swap3A_78 : vector<1x16xf32> to vector<16xf32>
        %swap3A_80 = vector.shape_cast %exp3A : vector<16xf32> to vector<1x16xf32>
        tpu.vector_store %arg15[%swap3A, %swap3A_77], %swap3A_80 {strides = array<i32>} : memref<200x16xf32, #tpu.memory_space<vmem>>, vector<1x16xf32>,
      }
      %scan3A_52 = arith.constant 200 : i32
      "tpu.region"() ({
        %run_scoped3A = tpu.sem_alloc : memref<!tpu.dma_semaphore, #tpu.memory_space<semaphore_mem>>
        %dma_start3A_61 = arith.constant 0 : i32
        %dma_start3A_62 = arith.constant 0 : i32
        %dma_start3A_63 = tpu.memref_slice %arg18[%dma_start3A_61, %dma_start3A_62] : memref<10000x16xf32, #tpu.memory_space<vmem_shared>> -> memref<10000x16xf32, #tpu.memory_space<vmem_shared>>
        tpu.enqueue_indirect_dma source(%arg15 : memref<200x16xf32, #tpu.memory_space<vmem>>) target(%dma_start3A_63 : memref<10000x16xf32, #tpu.memory_space<vmem_shared>>) offsets(%arg12 : memref<200xi32, #tpu.memory_space<vmem>>) semaphore(%run_scoped3A : memref<!tpu.dma_semaphore, #tpu.memory_space<semaphore_mem>>) {add = true}
        %dma_wait3A_64 = arith.constant 0 : i32
        %dma_wait3A_65 = arith.constant 0 : i32
        %dma_wait3A_66 = tpu.memref_slice %arg18[%dma_wait3A_64, %dma_wait3A_65] : memref<10000x16xf32, #tpu.memory_space<vmem_shared>> -> memref<10000x16xf32, #tpu.memory_space<vmem_shared>>
        tpu.wait_indirect_dma semaphore(%run_scoped3A : memref<!tpu.dma_semaphore, #tpu.memory_space<semaphore_mem>>) src(%arg15 : memref<200x16xf32, #tpu.memory_space<vmem>>) dst(%dma_wait3A_66 : memref<10000x16xf32, #tpu.memory_space<vmem_shared>>)
        tpu.yield
      }) : () -> ()
      %dma_wait3A_53 = arith.constant 0 : i32
      %dma_wait3A_54 = arith.constant 0 : i32
      %dma_wait3A_55 = tpu.memref_slice %arg4[%dma_wait3A_53, %dma_wait3A_54] : memref<10000x64xf32, #tpu.memory_space<hbm>> -> memref<10000x64xf32, #tpu.memory_space<hbm>>
      tpu.wait_indirect_dma semaphore(%arg21 : memref<!tpu.dma_semaphore, #tpu.memory_space<semaphore_mem>>) src(%dma_wait3A_55 : memref<10000x64xf32, #tpu.memory_space<hbm>>) dst(%arg16 : memref<200x64xf32, #tpu.memory_space<vmem>>)
      %scan3A_56 = arith.constant 0 : i32
      %scan3A_57 = arith.constant 200 : i32
      %scan3A_58 = arith.addi %scan3A_56, %scan3A_57 : i32
      %scan3A_59 = arith.constant 1 : i32
      scf.for %scan3A_61 = %scan3A_56 to %scan3A_58 step %scan3A_59  : i32 {
        %mul3A_62 = arith.constant 1 : i32
        %mul3A_63 = arith.muli %scan3A_61, %mul3A_62 : i32
        %add3A_64 = arith.constant 0 : i32
        %add3A_65 = arith.addi %add3A_64, %mul3A_63 : i32
        %get3A = arith.index_cast %add3A_65 : i32 to index
        %get3A_66 = arith.constant 0 : index
        %get3A_67 = tpu.vector_load %arg15[%get3A, %get3A_66] {strides = array<i32>} : memref<200x16xf32, #tpu.memory_space<vmem>>, vector<1x16xf32>,
        %get3A_68 = vector.shape_cast %get3A_67 : vector<1x16xf32> to vector<16xf32>
        %broadcast_in_dim3A = arith.constant 0 : i32
        %broadcast_in_dim3A_69 = vector.broadcast %broadcast_in_dim3A : i32 to vector<16x1xi32>
        %gather3A = vector.shape_cast %broadcast_in_dim3A_69 : vector<16x1xi32> to vector<16xi32>
        %gather3A_70 = tpu.dynamic_gather %get3A_68[%gather3A] in [0] : vector<16xf32>, vector<16xi32> -> vector<16xf32>
        %get3A_71 = arith.index_cast %add3A_65 : i32 to index
        %get3A_72 = arith.constant 0 : index
        %get3A_73 = tpu.vector_load %arg16[%get3A_71, %get3A_72] {strides = array<i32>} : memref<200x64xf32, #tpu.memory_space<vmem>>, vector<1x16xf32>,
        %get3A_74 = vector.shape_cast %get3A_73 : vector<1x16xf32> to vector<16xf32>
        %mul3A_75 = arith.mulf %get3A_74, %gather3A_70 : vector<16xf32>
        %swap3A = arith.index_cast %add3A_65 : i32 to index
        %swap3A_76 = arith.constant 0 : index
        %swap3A_77 = tpu.vector_load %arg16[%swap3A, %swap3A_76] {strides = array<i32>} : memref<200x64xf32, #tpu.memory_space<vmem>>, vector<1x16xf32>,
        %swap3A_78 = vector.shape_cast %swap3A_77 : vector<1x16xf32> to vector<16xf32>
        %swap3A_79 = vector.shape_cast %mul3A_75 : vector<16xf32> to vector<1x16xf32>
        tpu.vector_store %arg16[%swap3A, %swap3A_76], %swap3A_79 {strides = array<i32>} : memref<200x64xf32, #tpu.memory_space<vmem>>, vector<1x16xf32>,
        %get3A_80 = arith.index_cast %add3A_65 : i32 to index
        %get3A_81 = arith.constant 16 : index
        %get3A_82 = tpu.vector_load %arg16[%get3A_80, %get3A_81] {strides = array<i32>} : memref<200x64xf32, #tpu.memory_space<vmem>>, vector<1x16xf32>,
        %get3A_83 = vector.shape_cast %get3A_82 : vector<1x16xf32> to vector<16xf32>
        %mul3A_84 = arith.mulf %get3A_83, %gather3A_70 : vector<16xf32>
        %swap3A_85 = arith.index_cast %add3A_65 : i32 to index
        %swap3A_86 = arith.constant 16 : index
        %swap3A_87 = tpu.vector_load %arg16[%swap3A_85, %swap3A_86] {strides = array<i32>} : memref<200x64xf32, #tpu.memory_space<vmem>>, vector<1x16xf32>,
        %swap3A_88 = vector.shape_cast %swap3A_87 : vector<1x16xf32> to vector<16xf32>
        %swap3A_89 = vector.shape_cast %mul3A_84 : vector<16xf32> to vector<1x16xf32>
        tpu.vector_store %arg16[%swap3A_85, %swap3A_86], %swap3A_89 {strides = array<i32>} : memref<200x64xf32, #tpu.memory_space<vmem>>, vector<1x16xf32>,
        %get3A_90 = arith.index_cast %add3A_65 : i32 to index
        %get3A_91 = arith.constant 32 : index
        %get3A_92 = tpu.vector_load %arg16[%get3A_90, %get3A_91] {strides = array<i32>} : memref<200x64xf32, #tpu.memory_space<vmem>>, vector<1x16xf32>,
        %get3A_93 = vector.shape_cast %get3A_92 : vector<1x16xf32> to vector<16xf32>
        %mul3A_94 = arith.mulf %get3A_93, %gather3A_70 : vector<16xf32>
        %swap3A_95 = arith.index_cast %add3A_65 : i32 to index
        %swap3A_96 = arith.constant 32 : index
        %swap3A_97 = tpu.vector_load %arg16[%swap3A_95, %swap3A_96] {strides = array<i32>} : memref<200x64xf32, #tpu.memory_space<vmem>>, vector<1x16xf32>,
        %swap3A_98 = vector.shape_cast %swap3A_97 : vector<1x16xf32> to vector<16xf32>
        %swap3A_99 = vector.shape_cast %mul3A_94 : vector<16xf32> to vector<1x16xf32>
        tpu.vector_store %arg16[%swap3A_95, %swap3A_96], %swap3A_99 {strides = array<i32>} : memref<200x64xf32, #tpu.memory_space<vmem>>, vector<1x16xf32>,
        %get3A_100 = arith.index_cast %add3A_65 : i32 to index
        %get3A_101 = arith.constant 48 : index
        %get3A_102 = tpu.vector_load %arg16[%get3A_100, %get3A_101] {strides = array<i32>} : memref<200x64xf32, #tpu.memory_space<vmem>>, vector<1x16xf32>,
        %get3A_103 = vector.shape_cast %get3A_102 : vector<1x16xf32> to vector<16xf32>
        %mul3A_104 = arith.mulf %get3A_103, %gather3A_70 : vector<16xf32>
        %swap3A_105 = arith.index_cast %add3A_65 : i32 to index
        %swap3A_106 = arith.constant 48 : index
        %swap3A_107 = tpu.vector_load %arg16[%swap3A_105, %swap3A_106] {strides = array<i32>} : memref<200x64xf32, #tpu.memory_space<vmem>>, vector<1x16xf32>,
        %swap3A_108 = vector.shape_cast %swap3A_107 : vector<1x16xf32> to vector<16xf32>
        %swap3A_109 = vector.shape_cast %mul3A_104 : vector<16xf32> to vector<1x16xf32>
        tpu.vector_store %arg16[%swap3A_105, %swap3A_106], %swap3A_109 {strides = array<i32>} : memref<200x64xf32, #tpu.memory_space<vmem>>, vector<1x16xf32>,
      }
      %scan3A_60 = arith.constant 200 : i32
      "tpu.region"() ({
        %run_scoped3A = tpu.sem_alloc : memref<!tpu.dma_semaphore, #tpu.memory_space<semaphore_mem>>
        %dma_start3A_61 = arith.constant 0 : i32
        %dma_start3A_62 = arith.constant 0 : i32
        %dma_start3A_63 = tpu.memref_slice %arg17[%dma_start3A_61, %dma_start3A_62] : memref<10000x64xf32, #tpu.memory_space<vmem_shared>> -> memref<10000x64xf32, #tpu.memory_space<vmem_shared>>
        tpu.enqueue_indirect_dma source(%arg16 : memref<200x64xf32, #tpu.memory_space<vmem>>) target(%dma_start3A_63 : memref<10000x64xf32, #tpu.memory_space<vmem_shared>>) offsets(%arg12 : memref<200xi32, #tpu.memory_space<vmem>>) semaphore(%run_scoped3A : memref<!tpu.dma_semaphore, #tpu.memory_space<semaphore_mem>>) {add = true}
        %dma_wait3A_64 = arith.constant 0 : i32
        %dma_wait3A_65 = arith.constant 0 : i32
        %dma_wait3A_66 = tpu.memref_slice %arg17[%dma_wait3A_64, %dma_wait3A_65] : memref<10000x64xf32, #tpu.memory_space<vmem_shared>> -> memref<10000x64xf32, #tpu.memory_space<vmem_shared>>
        tpu.wait_indirect_dma semaphore(%run_scoped3A : memref<!tpu.dma_semaphore, #tpu.memory_space<semaphore_mem>>) src(%arg16 : memref<200x64xf32, #tpu.memory_space<vmem>>) dst(%dma_wait3A_66 : memref<10000x64xf32, #tpu.memory_space<vmem_shared>>)
        tpu.yield
      }) : () -> ()
    }
    %scan3A_15 = arith.constant 50 : i32
    %barrier3A_16 = arith.constant 0 : index
    tpu.barrier barrier_id(%barrier3A_16)
    "tpu.region"() ({
      %run_scoped3A = tpu.sem_alloc : memref<!tpu.dma_semaphore, #tpu.memory_space<semaphore_mem>>
      %dma_start3A = arith.constant 0 : i32
      %dma_start3A_27 = tpu.memref_slice %arg9[%arg0, %mul3A_0, %dma_start3A] : memref<2x10000x64xf32, #tpu.memory_space<hbm>> -> memref<1x624x64xf32, #tpu.memory_space<hbm>>
      %dma_start3A_28 = tpu.memref_squeeze %dma_start3A_27 : memref<1x624x64xf32, #tpu.memory_space<hbm>> -> memref<624x64xf32, #tpu.memory_space<hbm>>
      %dma_start3A_29 = arith.constant 0 : i32
      %dma_start3A_30 = tpu.memref_slice %arg17[%mul3A_0, %dma_start3A_29] : memref<10000x64xf32, #tpu.memory_space<vmem_shared>> -> memref<624x64xf32, #tpu.memory_space<vmem_shared>>
      tpu.enqueue_dma source(%dma_start3A_30 : memref<624x64xf32, #tpu.memory_space<vmem_shared>>) target(%dma_start3A_28 : memref<624x64xf32, #tpu.memory_space<hbm>>) target_semaphore(%run_scoped3A : memref<!tpu.dma_semaphore, #tpu.memory_space<semaphore_mem>>)
      %dma_wait3A = arith.constant 0 : i32
      %dma_wait3A_31 = tpu.memref_slice %arg9[%arg0, %mul3A_0, %dma_wait3A] : memref<2x10000x64xf32, #tpu.memory_space<hbm>> -> memref<1x624x64xf32, #tpu.memory_space<hbm>>
      %dma_wait3A_32 = tpu.memref_squeeze %dma_wait3A_31 : memref<1x624x64xf32, #tpu.memory_space<hbm>> -> memref<624x64xf32, #tpu.memory_space<hbm>>
      %dma_wait3A_33 = arith.constant 0 : i32
      %dma_wait3A_34 = tpu.memref_slice %arg17[%mul3A_0, %dma_wait3A_33] : memref<10000x64xf32, #tpu.memory_space<vmem_shared>> -> memref<624x64xf32, #tpu.memory_space<vmem_shared>>
      tpu.wait_dma2 semaphore(%run_scoped3A : memref<!tpu.dma_semaphore, #tpu.memory_space<semaphore_mem>>) src(%dma_wait3A_34 : memref<624x64xf32, #tpu.memory_space<vmem_shared>>) dst(%dma_wait3A_32 : memref<624x64xf32, #tpu.memory_space<hbm>>)
      tpu.yield
    }) : () -> ()
    %eq3A_17 = arith.constant 15 : i32
    %eq3A_18 = arith.cmpi eq, %arg1, %eq3A_17 : i32
    %convert_element_type3A_19 = arith.extui %eq3A_18 : i1 to i32
    %cond3A_20 = arith.constant 0 : i32
    %cond3A_21 = arith.cmpi ne, %convert_element_type3A_19, %cond3A_20 : i32
    scf.if %cond3A_21 {
      "tpu.region"() ({
        %run_scoped3A = tpu.sem_alloc : memref<!tpu.dma_semaphore, #tpu.memory_space<semaphore_mem>>
        %dma_start3A = arith.constant 9984 : i32
        %dma_start3A_27 = arith.constant 0 : i32
        %dma_start3A_28 = tpu.memref_slice %arg9[%arg0, %dma_start3A, %dma_start3A_27] : memref<2x10000x64xf32, #tpu.memory_space<hbm>> -> memref<1x16x64xf32, #tpu.memory_space<hbm>>
        %dma_start3A_29 = tpu.memref_squeeze %dma_start3A_28 : memref<1x16x64xf32, #tpu.memory_space<hbm>> -> memref<16x64xf32, #tpu.memory_space<hbm>>
        %dma_start3A_30 = arith.constant 9984 : i32
        %dma_start3A_31 = arith.constant 0 : i32
        %dma_start3A_32 = tpu.memref_slice %arg17[%dma_start3A_30, %dma_start3A_31] : memref<10000x64xf32, #tpu.memory_space<vmem_shared>> -> memref<16x64xf32, #tpu.memory_space<vmem_shared>>
        tpu.enqueue_dma source(%dma_start3A_32 : memref<16x64xf32, #tpu.memory_space<vmem_shared>>) target(%dma_start3A_29 : memref<16x64xf32, #tpu.memory_space<hbm>>) target_semaphore(%run_scoped3A : memref<!tpu.dma_semaphore, #tpu.memory_space<semaphore_mem>>)
        %dma_wait3A = arith.constant 9984 : i32
        %dma_wait3A_33 = arith.constant 0 : i32
        %dma_wait3A_34 = tpu.memref_slice %arg9[%arg0, %dma_wait3A, %dma_wait3A_33] : memref<2x10000x64xf32, #tpu.memory_space<hbm>> -> memref<1x16x64xf32, #tpu.memory_space<hbm>>
        %dma_wait3A_35 = tpu.memref_squeeze %dma_wait3A_34 : memref<1x16x64xf32, #tpu.memory_space<hbm>> -> memref<16x64xf32, #tpu.memory_space<hbm>>
        %dma_wait3A_36 = arith.constant 9984 : i32
        %dma_wait3A_37 = arith.constant 0 : i32
        %dma_wait3A_38 = tpu.memref_slice %arg17[%dma_wait3A_36, %dma_wait3A_37] : memref<10000x64xf32, #tpu.memory_space<vmem_shared>> -> memref<16x64xf32, #tpu.memory_space<vmem_shared>>
        tpu.wait_dma2 semaphore(%run_scoped3A : memref<!tpu.dma_semaphore, #tpu.memory_space<semaphore_mem>>) src(%dma_wait3A_38 : memref<16x64xf32, #tpu.memory_space<vmem_shared>>) dst(%dma_wait3A_35 : memref<16x64xf32, #tpu.memory_space<hbm>>)
        tpu.yield
      }) : () -> ()
    } else {
    }
    "tpu.region"() ({
      %run_scoped3A = tpu.sem_alloc : memref<!tpu.dma_semaphore, #tpu.memory_space<semaphore_mem>>
      %dma_start3A = arith.constant 0 : i32
      %dma_start3A_27 = tpu.memref_slice %arg10[%arg0, %mul3A_0, %dma_start3A] : memref<2x10000x16xf32, #tpu.memory_space<hbm>> -> memref<1x624x16xf32, #tpu.memory_space<hbm>>
      %dma_start3A_28 = tpu.memref_squeeze %dma_start3A_27 : memref<1x624x16xf32, #tpu.memory_space<hbm>> -> memref<624x16xf32, #tpu.memory_space<hbm>>
      %dma_start3A_29 = arith.constant 0 : i32
      %dma_start3A_30 = tpu.memref_slice %arg18[%mul3A_0, %dma_start3A_29] : memref<10000x16xf32, #tpu.memory_space<vmem_shared>> -> memref<624x16xf32, #tpu.memory_space<vmem_shared>>
      tpu.enqueue_dma source(%dma_start3A_30 : memref<624x16xf32, #tpu.memory_space<vmem_shared>>) target(%dma_start3A_28 : memref<624x16xf32, #tpu.memory_space<hbm>>) target_semaphore(%run_scoped3A : memref<!tpu.dma_semaphore, #tpu.memory_space<semaphore_mem>>)
      %dma_wait3A = arith.constant 0 : i32
      %dma_wait3A_31 = tpu.memref_slice %arg10[%arg0, %mul3A_0, %dma_wait3A] : memref<2x10000x16xf32, #tpu.memory_space<hbm>> -> memref<1x624x16xf32, #tpu.memory_space<hbm>>
      %dma_wait3A_32 = tpu.memref_squeeze %dma_wait3A_31 : memref<1x624x16xf32, #tpu.memory_space<hbm>> -> memref<624x16xf32, #tpu.memory_space<hbm>>
      %dma_wait3A_33 = arith.constant 0 : i32
      %dma_wait3A_34 = tpu.memref_slice %arg18[%mul3A_0, %dma_wait3A_33] : memref<10000x16xf32, #tpu.memory_space<vmem_shared>> -> memref<624x16xf32, #tpu.memory_space<vmem_shared>>
      tpu.wait_dma2 semaphore(%run_scoped3A : memref<!tpu.dma_semaphore, #tpu.memory_space<semaphore_mem>>) src(%dma_wait3A_34 : memref<624x16xf32, #tpu.memory_space<vmem_shared>>) dst(%dma_wait3A_32 : memref<624x16xf32, #tpu.memory_space<hbm>>)
      tpu.yield
    }) : () -> ()
    %eq3A_22 = arith.constant 15 : i32
    %eq3A_23 = arith.cmpi eq, %arg1, %eq3A_22 : i32
    %convert_element_type3A_24 = arith.extui %eq3A_23 : i1 to i32
    %cond3A_25 = arith.constant 0 : i32
    %cond3A_26 = arith.cmpi ne, %convert_element_type3A_24, %cond3A_25 : i32
    scf.if %cond3A_26 {
      "tpu.region"() ({
        %run_scoped3A = tpu.sem_alloc : memref<!tpu.dma_semaphore, #tpu.memory_space<semaphore_mem>>
        %dma_start3A = arith.constant 9984 : i32
        %dma_start3A_27 = arith.constant 0 : i32
        %dma_start3A_28 = tpu.memref_slice %arg10[%arg0, %dma_start3A, %dma_start3A_27] : memref<2x10000x16xf32, #tpu.memory_space<hbm>> -> memref<1x16x16xf32, #tpu.memory_space<hbm>>
        %dma_start3A_29 = tpu.memref_squeeze %dma_start3A_28 : memref<1x16x16xf32, #tpu.memory_space<hbm>> -> memref<16x16xf32, #tpu.memory_space<hbm>>
        %dma_start3A_30 = arith.constant 9984 : i32
        %dma_start3A_31 = arith.constant 0 : i32
        %dma_start3A_32 = tpu.memref_slice %arg18[%dma_start3A_30, %dma_start3A_31] : memref<10000x16xf32, #tpu.memory_space<vmem_shared>> -> memref<16x16xf32, #tpu.memory_space<vmem_shared>>
        tpu.enqueue_dma source(%dma_start3A_32 : memref<16x16xf32, #tpu.memory_space<vmem_shared>>) target(%dma_start3A_29 : memref<16x16xf32, #tpu.memory_space<hbm>>) target_semaphore(%run_scoped3A : memref<!tpu.dma_semaphore, #tpu.memory_space<semaphore_mem>>)
        %dma_wait3A = arith.constant 9984 : i32
        %dma_wait3A_33 = arith.constant 0 : i32
        %dma_wait3A_34 = tpu.memref_slice %arg10[%arg0, %dma_wait3A, %dma_wait3A_33] : memref<2x10000x16xf32, #tpu.memory_space<hbm>> -> memref<1x16x16xf32, #tpu.memory_space<hbm>>
        %dma_wait3A_35 = tpu.memref_squeeze %dma_wait3A_34 : memref<1x16x16xf32, #tpu.memory_space<hbm>> -> memref<16x16xf32, #tpu.memory_space<hbm>>
        %dma_wait3A_36 = arith.constant 9984 : i32
        %dma_wait3A_37 = arith.constant 0 : i32
        %dma_wait3A_38 = tpu.memref_slice %arg18[%dma_wait3A_36, %dma_wait3A_37] : memref<10000x16xf32, #tpu.memory_space<vmem_shared>> -> memref<16x16xf32, #tpu.memory_space<vmem_shared>>
        tpu.wait_dma2 semaphore(%run_scoped3A : memref<!tpu.dma_semaphore, #tpu.memory_space<semaphore_mem>>) src(%dma_wait3A_38 : memref<16x16xf32, #tpu.memory_space<vmem_shared>>) dst(%dma_wait3A_35 : memref<16x16xf32, #tpu.memory_space<hbm>>)
        tpu.yield
      }) : () -> ()
    } else {
    }
    return
  }
}

module attributes {stable_mosaic.version = 14 : i64} {
  func.func @_dense_kernel(%arg0: memref<10000x128xf32, #tpu.memory_space<vmem>>, %arg1: memref<128x128xf32, #tpu.memory_space<vmem>>, %arg2: memref<128x16xf32, #tpu.memory_space<vmem>>, %arg3: memref<128x16xf32, #tpu.memory_space<vmem>>, %arg4: memref<10000x128xf32, #tpu.memory_space<vmem>>, %arg5: memref<10000x16xf32, #tpu.memory_space<vmem>>, %arg6: memref<10000x16xf32, #tpu.memory_space<vmem>>) attributes {dimension_semantics = [], scalar_prefetch = 0 : i64, scratch_operands = 0 : i64, tpu.core_type = #tpu.core_type<tc>} {
    %get3A = arith.constant 0 : index
    %get3A_0 = arith.constant 0 : index
    %get3A_1 = vector.load %arg0[%get3A, %get3A_0] : memref<10000x128xf32, #tpu.memory_space<vmem>>, vector<10000x128xf32>
    %get3A_2 = arith.constant 0 : index
    %get3A_3 = arith.constant 0 : index
    %get3A_4 = vector.load %arg1[%get3A_2, %get3A_3] : memref<128x128xf32, #tpu.memory_space<vmem>>, vector<128x128xf32>
    %dot_general3A = arith.constant dense<0.000000e+00> : vector<10000x128xf32>
    %dot_general3A_5 = tpu.matmul %get3A_1, %get3A_4, %dot_general3A {dimension_numbers = #tpu.dot_dimension_numbers<[1], [0], [0], [1], [0, 0, 1, 1], [], []>, transpose_lhs_hint = false} : vector<10000x128xf32>, vector<128x128xf32>, vector<10000x128xf32> -> vector<10000x128xf32>
    %swap3A = arith.constant 0 : index
    %swap3A_6 = arith.constant 0 : index
    %swap3A_7 = vector.load %arg4[%swap3A, %swap3A_6] : memref<10000x128xf32, #tpu.memory_space<vmem>>, vector<10000x128xf32>
    tpu.vector_store %arg4[%swap3A, %swap3A_6], %dot_general3A_5 {strides = array<i32>} : memref<10000x128xf32, #tpu.memory_space<vmem>>, vector<10000x128xf32>,
    %get3A_8 = arith.constant 0 : index
    %get3A_9 = arith.constant 0 : index
    %get3A_10 = vector.load %arg2[%get3A_8, %get3A_9] : memref<128x16xf32, #tpu.memory_space<vmem>>, vector<128x16xf32>
    %dot_general3A_11 = arith.constant dense<0.000000e+00> : vector<10000x16xf32>
    %dot_general3A_12 = tpu.matmul %dot_general3A_5, %get3A_10, %dot_general3A_11 {dimension_numbers = #tpu.dot_dimension_numbers<[1], [0], [0], [1], [0, 0, 1, 1], [], []>, transpose_lhs_hint = false} : vector<10000x128xf32>, vector<128x16xf32>, vector<10000x16xf32> -> vector<10000x16xf32>
    %swap3A_13 = arith.constant 0 : index
    %swap3A_14 = arith.constant 0 : index
    %swap3A_15 = vector.load %arg5[%swap3A_13, %swap3A_14] : memref<10000x16xf32, #tpu.memory_space<vmem>>, vector<10000x16xf32>
    tpu.vector_store %arg5[%swap3A_13, %swap3A_14], %dot_general3A_12 {strides = array<i32>} : memref<10000x16xf32, #tpu.memory_space<vmem>>, vector<10000x16xf32>,
    %get3A_16 = arith.constant 0 : index
    %get3A_17 = arith.constant 0 : index
    %get3A_18 = vector.load %arg3[%get3A_16, %get3A_17] : memref<128x16xf32, #tpu.memory_space<vmem>>, vector<128x16xf32>
    %dot_general3A_19 = arith.constant dense<0.000000e+00> : vector<10000x16xf32>
    %dot_general3A_20 = tpu.matmul %dot_general3A_5, %get3A_18, %dot_general3A_19 {dimension_numbers = #tpu.dot_dimension_numbers<[1], [0], [0], [1], [0, 0, 1, 1], [], []>, transpose_lhs_hint = false} : vector<10000x128xf32>, vector<128x16xf32>, vector<10000x16xf32> -> vector<10000x16xf32>
    %swap3A_21 = arith.constant 0 : index
    %swap3A_22 = arith.constant 0 : index
    %swap3A_23 = vector.load %arg6[%swap3A_21, %swap3A_22] : memref<10000x16xf32, #tpu.memory_space<vmem>>, vector<10000x16xf32>
    tpu.vector_store %arg6[%swap3A_21, %swap3A_22], %dot_general3A_20 {strides = array<i32>} : memref<10000x16xf32, #tpu.memory_space<vmem>>, vector<10000x16xf32>,
    return
  }
}

module attributes {stable_mosaic.version = 14 : i64} {
  func.func @_finish_kernel(%arg0: memref<2x10000x128xf32, #tpu.memory_space<vmem>>, %arg1: memref<2x10000x16xf32, #tpu.memory_space<vmem>>, %arg2: memref<16x128xf32, #tpu.memory_space<vmem>>, %arg3: memref<1x128xf32, #tpu.memory_space<vmem>>, %arg4: memref<10000x128xf32, #tpu.memory_space<vmem>>) attributes {dimension_semantics = [], scalar_prefetch = 0 : i64, scratch_operands = 0 : i64, tpu.core_type = #tpu.core_type<tc>} {
    %get3A = arith.constant 0 : index
    %get3A_0 = arith.constant 0 : index
    %get3A_1 = arith.constant 0 : index
    %get3A_2 = vector.load %arg0[%get3A, %get3A_0, %get3A_1] : memref<2x10000x128xf32, #tpu.memory_space<vmem>>, vector<1x10000x128xf32>
    %get3A_3 = vector.shape_cast %get3A_2 : vector<1x10000x128xf32> to vector<10000x128xf32>
    %get3A_4 = arith.constant 1 : index
    %get3A_5 = arith.constant 0 : index
    %get3A_6 = arith.constant 0 : index
    %get3A_7 = vector.load %arg0[%get3A_4, %get3A_5, %get3A_6] : memref<2x10000x128xf32, #tpu.memory_space<vmem>>, vector<1x10000x128xf32>
    %get3A_8 = vector.shape_cast %get3A_7 : vector<1x10000x128xf32> to vector<10000x128xf32>
    %add3A = arith.addf %get3A_3, %get3A_8 : vector<10000x128xf32>
    %get3A_9 = arith.constant 0 : index
    %get3A_10 = arith.constant 0 : index
    %get3A_11 = arith.constant 0 : index
    %get3A_12 = vector.load %arg1[%get3A_9, %get3A_10, %get3A_11] : memref<2x10000x16xf32, #tpu.memory_space<vmem>>, vector<1x10000x16xf32>
    %get3A_13 = vector.shape_cast %get3A_12 : vector<1x10000x16xf32> to vector<10000x16xf32>
    %get3A_14 = arith.constant 1 : index
    %get3A_15 = arith.constant 0 : index
    %get3A_16 = arith.constant 0 : index
    %get3A_17 = vector.load %arg1[%get3A_14, %get3A_15, %get3A_16] : memref<2x10000x16xf32, #tpu.memory_space<vmem>>, vector<1x10000x16xf32>
    %get3A_18 = vector.shape_cast %get3A_17 : vector<1x10000x16xf32> to vector<10000x16xf32>
    %add3A_19 = arith.addf %get3A_13, %get3A_18 : vector<10000x16xf32>
    %get3A_20 = arith.constant 0 : index
    %get3A_21 = arith.constant 0 : index
    %get3A_22 = vector.load %arg2[%get3A_20, %get3A_21] : memref<16x128xf32, #tpu.memory_space<vmem>>, vector<16x128xf32>
    %dot_general3A = arith.constant dense<0.000000e+00> : vector<10000x128xf32>
    %dot_general3A_23 = tpu.matmul %add3A_19, %get3A_22, %dot_general3A {dimension_numbers = #tpu.dot_dimension_numbers<[1], [0], [0], [1], [0, 0, 1, 1], [], []>, transpose_lhs_hint = false} : vector<10000x16xf32>, vector<16x128xf32>, vector<10000x128xf32> -> vector<10000x128xf32>
    %add3A_24 = arith.constant 1.000000e-16 : f32
    %add3A_25 = vector.broadcast %add3A_24 : f32 to vector<10000x128xf32>
    %add3A_26 = arith.addf %dot_general3A_23, %add3A_25 : vector<10000x128xf32>
    %div3A = arith.divf %add3A, %add3A_26 : vector<10000x128xf32>
    %get3A_27 = arith.constant 0 : index
    %get3A_28 = arith.constant 0 : index
    %get3A_29 = vector.load %arg3[%get3A_27, %get3A_28] : memref<1x128xf32, #tpu.memory_space<vmem>>, vector<1x128xf32>
    %add3A_30 = vector.broadcast %get3A_29 : vector<1x128xf32> to vector<10000x128xf32>
    %add3A_31 = arith.addf %div3A, %add3A_30 : vector<10000x128xf32>
    %gt3A = arith.constant 0.000000e+00 : f32
    %gt3A_32 = vector.broadcast %gt3A : f32 to vector<10000x128xf32>
    %gt3A_33 = arith.cmpf ogt, %add3A_31, %gt3A_32 : vector<10000x128xf32>
    %min3A = arith.constant 0.000000e+00 : f32
    %min3A_34 = vector.broadcast %min3A : f32 to vector<10000x128xf32>
    %min3A_35 = arith.minimumf %add3A_31, %min3A_34 : vector<10000x128xf32>
    %exp3A = math.exp %min3A_35 : vector<10000x128xf32>
    %sub3A = arith.constant 1.000000e+00 : f32
    %sub3A_36 = vector.broadcast %sub3A : f32 to vector<10000x128xf32>
    %sub3A_37 = arith.subf %exp3A, %sub3A_36 : vector<10000x128xf32>
    %select_n3A = arith.select %gt3A_33, %add3A_31, %sub3A_37 : vector<10000x128xi1>, vector<10000x128xf32>
    %swap3A = arith.constant 0 : index
    %swap3A_38 = arith.constant 0 : index
    %swap3A_39 = vector.load %arg4[%swap3A, %swap3A_38] : memref<10000x128xf32, #tpu.memory_space<vmem>>, vector<10000x128xf32>
    tpu.vector_store %arg4[%swap3A, %swap3A_38], %select_n3A {strides = array<i32>} : memref<10000x128xf32, #tpu.memory_space<vmem>>, vector<10000x128xf32>,
    return
  }
}

module attributes {stable_mosaic.version = 14 : i64} {
  func.func @_dense_kernel(%arg0: memref<10000x128xf32, #tpu.memory_space<vmem>>, %arg1: memref<128x64xf32, #tpu.memory_space<vmem>>, %arg2: memref<64x16xf32, #tpu.memory_space<vmem>>, %arg3: memref<64x16xf32, #tpu.memory_space<vmem>>, %arg4: memref<10000x64xf32, #tpu.memory_space<vmem>>, %arg5: memref<10000x16xf32, #tpu.memory_space<vmem>>, %arg6: memref<10000x16xf32, #tpu.memory_space<vmem>>) attributes {dimension_semantics = [], scalar_prefetch = 0 : i64, scratch_operands = 0 : i64, tpu.core_type = #tpu.core_type<tc>} {
    %get3A = arith.constant 0 : index
    %get3A_0 = arith.constant 0 : index
    %get3A_1 = vector.load %arg0[%get3A, %get3A_0] : memref<10000x128xf32, #tpu.memory_space<vmem>>, vector<10000x128xf32>
    %get3A_2 = arith.constant 0 : index
    %get3A_3 = arith.constant 0 : index
    %get3A_4 = vector.load %arg1[%get3A_2, %get3A_3] : memref<128x64xf32, #tpu.memory_space<vmem>>, vector<128x64xf32>
    %dot_general3A = arith.constant dense<0.000000e+00> : vector<10000x64xf32>
    %dot_general3A_5 = tpu.matmul %get3A_1, %get3A_4, %dot_general3A {dimension_numbers = #tpu.dot_dimension_numbers<[1], [0], [0], [1], [0, 0, 1, 1], [], []>, transpose_lhs_hint = false} : vector<10000x128xf32>, vector<128x64xf32>, vector<10000x64xf32> -> vector<10000x64xf32>
    %swap3A = arith.constant 0 : index
    %swap3A_6 = arith.constant 0 : index
    %swap3A_7 = vector.load %arg4[%swap3A, %swap3A_6] : memref<10000x64xf32, #tpu.memory_space<vmem>>, vector<10000x64xf32>
    tpu.vector_store %arg4[%swap3A, %swap3A_6], %dot_general3A_5 {strides = array<i32>} : memref<10000x64xf32, #tpu.memory_space<vmem>>, vector<10000x64xf32>,
    %get3A_8 = arith.constant 0 : index
    %get3A_9 = arith.constant 0 : index
    %get3A_10 = vector.load %arg2[%get3A_8, %get3A_9] : memref<64x16xf32, #tpu.memory_space<vmem>>, vector<64x16xf32>
    %dot_general3A_11 = arith.constant dense<0.000000e+00> : vector<10000x16xf32>
    %dot_general3A_12 = tpu.matmul %dot_general3A_5, %get3A_10, %dot_general3A_11 {dimension_numbers = #tpu.dot_dimension_numbers<[1], [0], [0], [1], [0, 0, 1, 1], [], []>, transpose_lhs_hint = false} : vector<10000x64xf32>, vector<64x16xf32>, vector<10000x16xf32> -> vector<10000x16xf32>
    %swap3A_13 = arith.constant 0 : index
    %swap3A_14 = arith.constant 0 : index
    %swap3A_15 = vector.load %arg5[%swap3A_13, %swap3A_14] : memref<10000x16xf32, #tpu.memory_space<vmem>>, vector<10000x16xf32>
    tpu.vector_store %arg5[%swap3A_13, %swap3A_14], %dot_general3A_12 {strides = array<i32>} : memref<10000x16xf32, #tpu.memory_space<vmem>>, vector<10000x16xf32>,
    %get3A_16 = arith.constant 0 : index
    %get3A_17 = arith.constant 0 : index
    %get3A_18 = vector.load %arg3[%get3A_16, %get3A_17] : memref<64x16xf32, #tpu.memory_space<vmem>>, vector<64x16xf32>
    %dot_general3A_19 = arith.constant dense<0.000000e+00> : vector<10000x16xf32>
    %dot_general3A_20 = tpu.matmul %dot_general3A_5, %get3A_18, %dot_general3A_19 {dimension_numbers = #tpu.dot_dimension_numbers<[1], [0], [0], [1], [0, 0, 1, 1], [], []>, transpose_lhs_hint = false} : vector<10000x64xf32>, vector<64x16xf32>, vector<10000x16xf32> -> vector<10000x16xf32>
    %swap3A_21 = arith.constant 0 : index
    %swap3A_22 = arith.constant 0 : index
    %swap3A_23 = vector.load %arg6[%swap3A_21, %swap3A_22] : memref<10000x16xf32, #tpu.memory_space<vmem>>, vector<10000x16xf32>
    tpu.vector_store %arg6[%swap3A_21, %swap3A_22], %dot_general3A_20 {strides = array<i32>} : memref<10000x16xf32, #tpu.memory_space<vmem>>, vector<10000x16xf32>,
    return
  }
}

module attributes {stable_mosaic.version = 14 : i64} {
  func.func @_finish_kernel(%arg0: memref<2x10000x64xf32, #tpu.memory_space<vmem>>, %arg1: memref<2x10000x16xf32, #tpu.memory_space<vmem>>, %arg2: memref<16x64xf32, #tpu.memory_space<vmem>>, %arg3: memref<1x64xf32, #tpu.memory_space<vmem>>, %arg4: memref<10000x64xf32, #tpu.memory_space<vmem>>) attributes {dimension_semantics = [], scalar_prefetch = 0 : i64, scratch_operands = 0 : i64, tpu.core_type = #tpu.core_type<tc>} {
    %get3A = arith.constant 0 : index
    %get3A_0 = arith.constant 0 : index
    %get3A_1 = arith.constant 0 : index
    %get3A_2 = vector.load %arg0[%get3A, %get3A_0, %get3A_1] : memref<2x10000x64xf32, #tpu.memory_space<vmem>>, vector<1x10000x64xf32>
    %get3A_3 = vector.shape_cast %get3A_2 : vector<1x10000x64xf32> to vector<10000x64xf32>
    %get3A_4 = arith.constant 1 : index
    %get3A_5 = arith.constant 0 : index
    %get3A_6 = arith.constant 0 : index
    %get3A_7 = vector.load %arg0[%get3A_4, %get3A_5, %get3A_6] : memref<2x10000x64xf32, #tpu.memory_space<vmem>>, vector<1x10000x64xf32>
    %get3A_8 = vector.shape_cast %get3A_7 : vector<1x10000x64xf32> to vector<10000x64xf32>
    %add3A = arith.addf %get3A_3, %get3A_8 : vector<10000x64xf32>
    %get3A_9 = arith.constant 0 : index
    %get3A_10 = arith.constant 0 : index
    %get3A_11 = arith.constant 0 : index
    %get3A_12 = vector.load %arg1[%get3A_9, %get3A_10, %get3A_11] : memref<2x10000x16xf32, #tpu.memory_space<vmem>>, vector<1x10000x16xf32>
    %get3A_13 = vector.shape_cast %get3A_12 : vector<1x10000x16xf32> to vector<10000x16xf32>
    %get3A_14 = arith.constant 1 : index
    %get3A_15 = arith.constant 0 : index
    %get3A_16 = arith.constant 0 : index
    %get3A_17 = vector.load %arg1[%get3A_14, %get3A_15, %get3A_16] : memref<2x10000x16xf32, #tpu.memory_space<vmem>>, vector<1x10000x16xf32>
    %get3A_18 = vector.shape_cast %get3A_17 : vector<1x10000x16xf32> to vector<10000x16xf32>
    %add3A_19 = arith.addf %get3A_13, %get3A_18 : vector<10000x16xf32>
    %get3A_20 = arith.constant 0 : index
    %get3A_21 = arith.constant 0 : index
    %get3A_22 = vector.load %arg2[%get3A_20, %get3A_21] : memref<16x64xf32, #tpu.memory_space<vmem>>, vector<16x64xf32>
    %dot_general3A = arith.constant dense<0.000000e+00> : vector<10000x64xf32>
    %dot_general3A_23 = tpu.matmul %add3A_19, %get3A_22, %dot_general3A {dimension_numbers = #tpu.dot_dimension_numbers<[1], [0], [0], [1], [0, 0, 1, 1], [], []>, transpose_lhs_hint = false} : vector<10000x16xf32>, vector<16x64xf32>, vector<10000x64xf32> -> vector<10000x64xf32>
    %add3A_24 = arith.constant 1.000000e-16 : f32
    %add3A_25 = vector.broadcast %add3A_24 : f32 to vector<10000x64xf32>
    %add3A_26 = arith.addf %dot_general3A_23, %add3A_25 : vector<10000x64xf32>
    %div3A = arith.divf %add3A, %add3A_26 : vector<10000x64xf32>
    %get3A_27 = arith.constant 0 : index
    %get3A_28 = arith.constant 0 : index
    %get3A_29 = vector.load %arg3[%get3A_27, %get3A_28] : memref<1x64xf32, #tpu.memory_space<vmem>>, vector<1x64xf32>
    %add3A_30 = vector.broadcast %get3A_29 : vector<1x64xf32> to vector<10000x64xf32>
    %add3A_31 = arith.addf %div3A, %add3A_30 : vector<10000x64xf32>
    %swap3A = arith.constant 0 : index
    %swap3A_32 = arith.constant 0 : index
    %swap3A_33 = vector.load %arg4[%swap3A, %swap3A_32] : memref<10000x64xf32, #tpu.memory_space<vmem>>, vector<10000x64xf32>
    tpu.vector_store %arg4[%swap3A, %swap3A_32], %add3A_31 {strides = array<i32>} : memref<10000x64xf32, #tpu.memory_space<vmem>>, vector<10000x64xf32>,
    return
  }
}

</mosaic_0001>

<sc_bundles>
// kernel: kernel.11.cloned.1.call-start
scs
__scs_entry_jumppad:
0x0: {  	(pc) =	sbr.rel $0x88, $3  }
0x1: {  	(tag) =	ssettag $0x0;
	lr =	simm.s32 $0x1  }
0x2: {  	[smem:$0x3F97] =	sst lr;
	_ =	strace $0xD0000000  }
0x3: {  	_ = 	snop  }
0x4: {  	_ = 	snop  }
0x5: {  	_ = 	snop  }
0x6: {  	_ = 	snop  }
0x7: {  	_ = 	snop  }
__scs_overlays_trampoline_lowered:
0x8: {  	[smem:$0x3FA6] =	sst s0  }
0x9: {  	[smem:$0x3FA7] =	sst s1  }
0xa: {  	[smem:$0x3FA8] =	sst s2  }
0xb: {  	[smem:$0x3FA9] =	sst s3  }
0xc: {  	[smem:$0x3FAA] =	sst s4  }
0xd: {  	[smem:$0x3FAB] =	sst s5  }
0xe: {  	[smem:$0x3FAC] =	sst s6  }
0xf: {  	[smem:$0x3FAD] =	sst s7  }
0x10: {  	[smem:$0x3FAE] =	sst s8  }
0x11: {  	[smem:$0x3FAF] =	sst s9;
	s0 =	simm.s32 @!p0 $0x0  }
0x12: {  	s1 =	sld [smem:$0x3F95];
	s0 =	simm.s32 @p0 $0x1  }
0x13: {  	[smem:$0x3FB0] =	sst s0;
	s0 =	simm.s32 @!p1 $0x0  }
0x14: {  	s2 =	sld [smem:$0x3F94];
	s0 =	simm.s32 @p1 $0x1  }
0x15: {  	[smem:$0x3FB1] =	sst s0;
	s0 =	simm.s32 @!p2 $0x0  }
0x16: {  	s3 =	sld [smem:$0x3FDB];
	s0 =	simm.s32 @p2 $0x1  }
0x17: {  	s4 =	simm.s32 $0x1BF5;
	[smem:$0x3FB3] =	sst s0  }
0x18: {  	s0 =	sld [smem:$0x3F96];
	_ =	swait.ge [sflag:s4], $0x0  }
0x19: {  	s7 =	sld [smem:$0x3F97]  }
0x1a: {  	s8 =	sadd.s32 $0xFFFFE003, lr  }
0x1b: {  	s9 =	sadd.s32 $0xFFFFFEF7, lr;
	s5 =	simm.s32 $0xFFFFFFFF;
	p2 =	slt.u32 s8, $0xFFFFF086  }
0x1c: {  	p1 =	slt.u32 s9, $0xF7A;
	s5 =	simm.s32 @!p2 $0x0  }
0x1d: {  	s5 =	simm.s32 @p1 $0x1;
	p0 =	seq.s32 s7, s2  }
0x1e: {  	s7 =	smul.u32 @!p0 $0xF7A, s2;
	p2 =	seq.s32 @!p0 s5, $0x0  }
0x1f: {  	s9 =	smul.u32 $0xF7A, s1;
	s8 =	simm.s32 @!p0 $0x1BF5;
	p2 =	por !p2, p0  }
0x20: {  	[sflag:s8] =	ssyncset.s32 @!p0 $0xFFFFF086;
	s6 =	sadd.s32 @!p0 s3, s7;
	s7 =	simm.s32 @!p0 $0x108  }
0x21: {  	s3 =	sadd.s32 s3, s9;
	s6 =	sadd.s32 @!p0 $0x88, s6;
	s7 =	simm.s32 @p2 $0x1082  }
0x22: {  	[simem:s7], [sflag:s8] =	dma.local @!p0 [hbm:s6], $0xF7A  }
0x23: {  	s9 =	sor.u32 $0xD0000000, s2;
	s6 =	simm.s32 $0x108;
	_ =	swait.ge @!p0 [sflag:s8], $0x0  }
0x24: {  	s3 =	sadd.s32 $0x88, s3;
	s6 =	simm.s32 @!p1 $0x1082;
	[sflag:s4] =	ssyncset.s32 $0xFFFFF086  }
0x25: {  	[simem:s6], [sflag:s4] =	dma.local [hbm:s3], $0xF7A  }
0x26: {  	[smem:$0x3F97] =	sst s1;
	(tag) =	ssettag s2;
	_ =	strace s9  }
0x27: {  	s1 =	sld [smem:$0x3FA7]  }
0x28: {  	s2 =	sld [smem:$0x3FA8]  }
0x29: {  	s4 =	sld [smem:$0x3FAA]  }
0x2a: {  	p0 =	seq.s32 s5, $0x0;
	s5 =	sld [smem:$0x3FAB]  }
0x2b: {  	s6 =	sld [smem:$0x3FAC]  }
0x2c: {  	s7 =	sld [smem:$0x3FAD]  }
0x2d: {  	s3 =	simm.s32 $0x108;
	s8 =	sld [smem:$0x3FAE]  }
0x2e: {  	s3 =	simm.s32 @!p0 $0x1082;
	s9 =	sld [smem:$0x3FAF]  }
0x2f: {  	lr =	sadd.s32 s0, s3;
	s0 =	sld [smem:$0x3FA6]  }
0x30: {  	s3 =	sld [smem:$0x3FA9]  }
0x31: {  	[smem:$0x3FB2] =	sst s10  }
0x32: {  	s10 =	sld [smem:$0x3FB0];
	_ =	sdelay $0x3  }
0x33: {  	p0 =	seq.s32 s10, $0x1;
	s10 =	sld [smem:$0x3FB2];
	_ =	sdelay $0x3  }
0x34: {  	[smem:$0x3FB2] =	sst s10  }
0x35: {  	s10 =	sld [smem:$0x3FB1];
	_ =	sdelay $0x3  }
0x36: {  	p1 =	seq.s32 s10, $0x1;
	s10 =	sld [smem:$0x3FB2];
	_ =	sdelay $0x3  }
0x37: {  	[smem:$0x3FB2] =	sst s10  }
0x38: {  	s10 =	sld [smem:$0x3FB3]  }
0x39: {  	_ = 	snop;
	(pc) =	sbr.ind lr, $3  }
0x3a: {  	_ = 	snop  }
0x3b: {  	_ = 	snop  }
0x3c: {  	p2 =	seq.s32 s10, $0x1;
	s10 =	sld [smem:$0x3FB2]  }
0x3d: {  	_ =	shalt  }
0x3e: {  	_ =	shalt  }
0x3f: {  	_ =	shalt  }
0x40: {  	_ =	shalt  }
0x41: {  	_ =	shalt  }
0x42: {  	_ =	shalt  }
0x43: {  	_ =	shalt  }
0x44: {  	_ =	shalt  }
0x45: {  	_ =	shalt  }
0x46: {  	_ =	shalt  }
0x47: {  	_ =	shalt  }
0x48: {  	_ =	shalt  }
0x49: {  	_ =	shalt  }
0x4a: {  	_ =	shalt  }
0x4b: {  	_ =	shalt  }
0x4c: {  	_ =	shalt  }
0x4d: {  	_ =	shalt  }
0x4e: {  	_ =	shalt  }
0x4f: {  	_ =	shalt  }
0x50: {  	_ =	shalt  }
0x51: {  	_ =	shalt  }
0x52: {  	_ =	shalt  }
0x53: {  	_ =	shalt  }
0x54: {  	_ =	shalt  }
0x55: {  	_ =	shalt  }
0x56: {  	_ =	shalt  }
0x57: {  	_ =	shalt  }
0x58: {  	_ =	shalt  }
0x59: {  	_ =	shalt  }
0x5a: {  	_ =	shalt  }
0x5b: {  	_ =	shalt  }
0x5c: {  	_ =	shalt  }
0x5d: {  	_ =	shalt  }
0x5e: {  	_ =	shalt  }
0x5f: {  	_ =	shalt  }
0x60: {  	_ =	shalt  }
0x61: {  	_ =	shalt  }
0x62: {  	_ =	shalt  }
0x63: {  	_ =	shalt  }
0x64: {  	_ =	shalt  }
0x65: {  	_ =	shalt  }
0x66: {  	_ =	shalt  }
0x67: {  	_ =	shalt  }
0x68: {  	_ =	shalt  }
0x69: {  	_ =	shalt  }
0x6a: {  	_ =	shalt  }
0x6b: {  	_ =	shalt  }
0x6c: {  	_ =	shalt  }
0x6d: {  	_ =	shalt  }
0x6e: {  	_ =	shalt  }
0x6f: {  	_ =	shalt  }
0x70: {  	_ =	shalt  }
0x71: {  	_ =	shalt  }
0x72: {  	_ =	shalt  }
0x73: {  	_ =	shalt  }
0x74: {  	_ =	shalt  }
0x75: {  	_ =	shalt  }
0x76: {  	_ =	shalt  }
0x77: {  	_ =	shalt  }
0x78: {  	_ =	shalt  }
0x79: {  	_ =	shalt  }
0x7a: {  	_ =	shalt  }
0x7b: {  	_ =	shalt  }
0x7c: {  	_ =	shalt  }
0x7d: {  	_ =	shalt  }
0x7e: {  	_ =	shalt  }
0x7f: {  	_ =	shalt  }
0x80: {  	_ =	shalt  }
0x81: {  	_ =	shalt  }
0x82: {  	_ =	shalt  }
0x83: {  	_ =	shalt  }
0x84: {  	_ =	shalt  }
0x85: {  	_ =	shalt  }
0x86: {  	_ =	shalt  }
0x87: {  	_ =	shalt  }
.Lfunc_end0:
.L_simem_size_0:
called_computation.1_lowered:
.L_overlay_start_0:
0x88: {  	s2 =	sld [smem:$0x3FD9]  }
0x89: {  	s3 =	sld [smem:$0x3FFE];
	_ =	sdelay $0x1  }
0x8a: {  	s1 =	srdreg.scid  }
0x8b: {  	s0 =	sand.u32 $0x1, s1  }
0x8c: {  	s17 =	sshll.u32 s0, $0xA;
	s2 =	sadd.s32 s3, s2  }
0x8d: {  	s2 =	sadd.s32 s2, s17  }
0x8e: {  	[smem:$0x3FBE] =	sst s2  }
0x8f: {  	_ = 	snop  }
0x90: {  	s2 =	sld [smem:$0x3FD0];
	(tm) =	ssettm $0x1  }
0x91: {  	s18 =	sld [smem:$0x3FFB];
	_ =	sdelay $0x3  }
0x92: {  	_ =	strace s18  }
0x93: {  	s3 =	sld [smem:$0x3FFC];
	_ =	sdelay $0x3  }
0x94: {  	_ =	strace s3  }
0x95: {  	s3 =	sld [smem:$0x3FFD];
	_ =	sdelay $0x3  }
0x96: {  	_ =	strace s3  }
0x97: {  	_ =	strace $0x8FFFFFFF  }
0x98: {  	s19 =	sld [smem:$0x3FDB];
	_ =	sdelay $0x1  }
0x99: {  	s4 =	simm.s32 $_scs_section_size  }
0x9a: {  	s5 =	simm.s32 $_size__tile_overlayer_lowered;
	s6 =	simm.s32 $_tile_overlayer_lowered  }
0x9b: {  	s22 =	simm.s32 $0x1BFF;
	s21 =	sshll.u32 s6, $0x1;
	s3 =	sadd.s32 s4, s19  }
0x9c: {  	s7 =	simm.s32 $0x0;
	s20 =	sshll.u32 s5, $0x1;
	s5 =	sadd.s32 s21, s3  }
0x9d: {  	[timem:s7], [sflag:s22] =	dma.local [hbm:s5], s20  }
0x9e: {  	_ =	swait.ge [sflag:s22], s20  }
0x9f: {  	s4 =	ssub.s32 $0x0, s20;
	[sflag:s22] =	ssyncset.done $0x0  }
0xa0: {  	[sflag:s22] =	ssyncadd.s32 s4;
	_ =	sdelay $0x1  }
0xa1: {  	s23 =	simm.s32 $0x1B8B  }
0xa2: {  	_ =	swait.ge [sflag:s23], $0x1  }
0xa3: {  	[sflag:s23] =	ssyncset.done $0x0  }
0xa4: {  	s25 =	simm.s32 $0x1B8E;
	s24 =	sld [smem:$0x3FFE];
	[sflag:s23] =	ssyncadd.s32 $0xFFFFFFFF  }
0xa5: {  	s26 =	simm.s32 $execute0_lowered;
	[smem:$0x3FD2] =	sst s25  }
0xa6: {  	s5 =	sshll.u32 s26, $0x1;
	_ =	strace $0x80000049;
	[dreg:$0x1] =	wrdreg $0xFFFFFFFF  }
0xa7: {  	s28 =	simm.s32 $_size_execute0_lowered;
	s3 =	sadd.s32 s3, s5;
	[dreg:$0x0] =	wrdreg $0x0  }
0xa8: {  	s5 =	sshll.u32 s28, $0x1;
	[dreg:$0x2] =	wrdreg s3  }
0xa9: {  	[dreg:$0x3] =	wrdreg s5  }
0xaa: {  	[dreg:$0x4] =	wrdreg $0xC0  }
0xab: {  	_ =	task [dreg:s7], $0x5FFFF  }
0xac: {  	[dreg:$0x1] =	wrdreg $0xFFFFFFFF  }
0xad: {  	[dreg:$0x0] =	wrdreg $0x60  }
0xae: {  	[dreg:$0x2] =	wrdreg s24  }
0xaf: {  	[dreg:$0x3] =	wrdreg s2  }
0xb0: {  	[dreg:$0x4] =	wrdreg $0x59100  }
0xb1: {  	[dreg:$0x5] =	wrdreg $0xF5500  }
0xb2: {  	[dreg:$0x6] =	wrdreg $0x9  }
0xb3: {  	_ =	task.clear_ibuf [dreg:s7], $0x7FFFF;
	_ =	strace $0x90000049  }
0xb4: {  	s29 =	simm.s32 $0x9;
	_ =	strace $0x8000004B  }
0xb5: {  	_ =	swait.ge [sflag:s29], $0x1  }
0xb6: {  	[sflag:s29] =	ssyncadd.s32 $0xFFFFFFFF  }
0xb7: {  	_ =	strace $0x9000004B  }
0xb8: {  	_ =	sfence  }
0xb9: {  	s30 =	sld [smem:$0x0];
	_ =	sdelay $0x2  }
0xba: {  	s31 =	sshll.u32 s1, $0xD;
	s1 =	sshrl.u32 s1, $0x2  }
0xbb: {  	s3 =	sand.u32 $0x4000, s31;
	s1 =	sadd.s32 s1, s30  }
0xbc: {  	s0 =	sor.u32 s3, s0;
	s1 =	sshll.u32 s1, $0x11  }
0xbd: {  	s0 =	sor.u32 s1, s0  }
0xbe: {  	s0 =	sadd.s32 $0x8F2B, s0  }
0xbf: {  	[sflag:s0] =	ssyncadd.remote.s32 $0x1  }
0xc0: {  	_ =	sfence.sel $0xFFFF  }
0xc1: {  	[dreg:$0x0] =	wrdreg $0xFFFFFFFF;
	(pc) =	sbr.abs _section_cstart, $3  }
0xc2: {  	[dreg:$0x1] =	wrdreg $0xFFFFFFFF  }
0xc3: {  	_ =	task.clear_ibuf [dreg:s7], $0x2FFFF;
	_ =	strace $0x9FFFFFFF  }
0xc4: {  	(tm) =	ssettm $0x7FFFFFFF  }
0xc5: {  	_ =	shalt  }
tec
execute0_lowered:
.L_overlay_start_1:
0x0: {  	(tag) =	ssettag $0x1  }
0x1: {  	s0 =	rddreg [dreg:$0x0]  }
0x2: {  	s1 =	rddreg [dreg:$0x1]  }
0x3: {  	s2 =	rddreg [dreg:$0x2]  }
0x4: {  	s4 =	rddreg [dreg:$0x3];
	s5 =	simm.s32 $0x0;
	s16 =	stileid.u32  }
0x5: {  	s11 =	srdreg.scid;
	s28 =	simm.s32 $0xC8;
	s29 =	simm.s32 $0x190  }
0x6: {  	s30 =	simm.s32 $0xE10;
	s31 =	simm.s32 $0x2710;
	[smem:$0x7FF] =	sst s5  }
0x7: {  	s6 =	sadd.s32 $0x3D400, s0;
	s3 =	smul.u32 $0x9C00, s16;
	s7 =	sadd.s32 $0x33600, s0  }
0x8: {  	s10 =	smul.u32 $0x2700, s16;
	s8 =	sadd.s32 $0x7400, s0;
	s9 =	sadd.s32 $0x2400, s0  }
0x9: {  	s11 =	sand.u32 $0x1, s11;
	s17 =	sadd.s32 $0x4C200, s0;
	s18 =	sadd.s32 $0x1FE00, s0  }
0xa: {  	s23 =	sshll.u32 s16, $0x6;
	s24 =	sadd.s32 $0x9C000, s2;
	s25 =	sadd.s32 $0x1FC00, s0  }
0xb: {  	s20 =	sadd.s32 $0x27000, s4;
	_ =	strace $0x8000004A;
	[dreg:$0x7] =	wrdreg s24  }
0xc: {  	p0 =	sne.s32 s16, $0xF;
	s14 =	ssub.s32 $0x2, s11;
	[dreg:$0x8] =	wrdreg s25  }
0xd: {  	s19 =	smul.u32 $0x9C400, s11;
	[dreg:$0xc] =	wrdreg s20;
	s21 =	sshll.u32 s11, $0x4  }
0xe: {  	s12 =	sshrl.u32 s3, $0x3;
	s13 =	sshrl.u32 s10, $0x3;
	s15 =	sshrl.u32 s14, $0x1  }
0xf: {  	s22 =	sadd.s32 s3, s2;
	s26 =	sadd.s32 s10, s4;
	s12 =	sadd.s32 s12, s0  }
0x10: {  	s13 =	sadd.s32 s13, s0;
	s14 =	ssub.s32 s14, s15;
	[dreg:$0x5] =	wrdreg s22  }
0x11: {  	[dreg:$0x9] =	wrdreg s26;
	s3 =	sadd.s32 s3, s19;
	s15 =	sshrl.u32 s19, $0x3  }
0x12: {  	s19 =	smul.u32 $0x27100, s11;
	s0 =	sadd.s32 $0x4C000, s0;
	s11 =	simm.s32 $0x3  }
0x13: {  	s12 =	sadd.s32 $0xC400, s12;
	s13 =	sadd.s32 $0x47200, s13;
	[dreg:$0xd] =	wrdreg s0  }
0x14: {  	s3 =	sshrl.u32 s3, $0x3;
	s0 =	sor.u32 s16, s21;
	[dreg:$0x6] =	wrdreg s12  }
0x15: {  	s26 =	smax.u32 s14, $0x1;
	s12 =	sor.u32 $0x1C04, s23;
	[dreg:$0xa] =	wrdreg s13  }
0x16: {  	s3 =	sadd.s32 s17, s3;
	s13 =	sadd.s32 s17, s15;
	[dreg:$0x12] =	wrdreg s26  }
0x17: {  	s10 =	sadd.s32 s10, s19;
	s20 =	smul.u32 $0x2710, s0;
	[dreg:$0xb] =	wrdreg s3  }
0x18: {  	s3 =	sshrl.u32 s19, $0x3;
	s22 =	sshrl.u32 s10, $0x3;
	s23 =	sadd.s32 $0x13800, s13  }
0x19: {  	s3 =	sadd.s32 s18, s3;
	s0 =	sadd.s32 s18, s22;
	[dreg:$0xf] =	wrdreg s23  }
0x1a: {  	s26 =	simm.s32 $0x4;
	[dreg:$0xe] =	wrdreg s0;
	s24 =	sadd.s32 $0x4920, s3  }
0x1b: {  	s10 =	simm.s32 $0x1A90;
	s25 =	sadd.s32 $0x4E00, s3;
	[dreg:$0x10] =	wrdreg s24  }
0x1c: {  	v0 =	vimm.s32 $0x0;
	s0 =	simm.s32 $0x1;
	s3 =	simm.s32 $0x2;
	[dreg:$0x11] =	wrdreg s25  }
.LBB2_1:
0x1d: {  	s13 =	rddreg [dreg:$0x5]  }
0x1e: {  	s14 =	rddreg [dreg:$0x6];
	s13 =	sshrl.u32 s13, $0x3  }
0x1f: {  	[spmem:s13], [sflag:s12] =	dma.local [hbm:s14], $0x1380  }
0x20: {  	_ =	swait.ge [sflag:s26], $0x1380  }
0x21: {  	s15 =	simm.s32 @p0 $0x4;
	[sflag:s26] =	ssyncset.done $0x0;
	s16 =	rddreg [dreg:$0x9]  }
0x22: {  	s19 =	rddreg [dreg:$0xa];
	[sflag:s26] =	ssyncadd.s32 $0xFFFFEC80;
	s14 =	sshrl.u32 @p0 s16, $0x3  }
0x23: {  	[spmem:s14], [sflag:s12] =	dma.local @p0 [hbm:s19], $0x4E0  }
0x24: {  	_ =	swait.ge @p0 [sflag:s15], $0x4E0  }
0x25: {  	[sflag:s15] =	ssyncset.done @p0 $0x0  }
0x26: {  	[sflag:s15] =	ssyncadd.s32 @p0 $0xFFFFFB20;
	s15 =	rddreg [dreg:$0x7]  }
0x27: {  	s17 =	sshrl.u32 @!p0 s15, $0x3;
	s15 =	rddreg [dreg:$0x8]  }
0x28: {  	[spmem:s17], [sflag:s12] =	dma.local @!p0 [hbm:s15], $0x80  }
0x29: {  	s15 =	simm.s32 @!p0 $0x4  }
0x2a: {  	_ =	swait.ge @!p0 [sflag:s15], $0x80  }
0x2b: {  	[sflag:s15] =	ssyncset.done @!p0 $0x0  }
0x2c: {  	s18 =	sshrl.u32 @!p0 s16, $0x3;
	[sflag:s15] =	ssyncadd.s32 @!p0 $0xFFFFFF80  }
0x2d: {  	[spmem:s18], [sflag:s12] =	dma.local @!p0 [hbm:s19], $0x4E0  }
0x2e: {  	_ =	swait.ge @!p0 [sflag:s15], $0x4E0  }
0x2f: {  	[sflag:s15] =	ssyncset.done @!p0 $0x0;
	s16 =	rddreg [dreg:$0xc]  }
0x30: {  	[sflag:s15] =	ssyncadd.s32 @!p0 $0xFFFFFB20;
	s19 =	sshrl.u32 @!p0 s16, $0x3;
	s16 =	rddreg [dreg:$0xd]  }
0x31: {  	[spmem:s19], [sflag:s12] =	dma.local @!p0 [hbm:s16], $0x20  }
0x32: {  	_ =	swait.ge @!p0 [sflag:s15], $0x20  }
0x33: {  	[sflag:s15] =	ssyncset.done @!p0 $0x0  }
0x34: {  	[sflag:s15] =	ssyncadd.s32 @!p0 $0xFFFFFFE0  }
0x35: {  	s21 =	simm.s32 $0x0;
	[bflag:$0x0] =	sbarrier.arrive $0xFFFF  }
.LBB2_2:
0x36: {  	s15 =	smul.u32 $0xC8, s21;
	_ =	sdelay $0x1  }
0x37: {  	s15 =	sadd.s32 s20, s15  }
0x38: {  	s15 =	sshrl.u32 s15, $0x3  }
0x39: {  	s23 =	simm.s32 $0x0;
	s22 =	sadd.s32 s6, s15  }
0x3a: {  	[tilespmem:s23], [sflag:$0x4] =	stream.linear.gather [hbm4b:s22+s23], $0xC8, $0x38;
	[tilespmem:$0x11C60] =	vst v63  }
0x3b: {  	_ =	swait.ge [sflag:s26], $0xC8  }
0x3c: {  	[sflag:s26] =	ssyncset.done $0x0  }
0x3d: {  	s15 =	sadd.s32 s7, s15;
	[sflag:s26] =	ssyncadd.s32 $0xFFFFFF38  }
0x3e: {  	[tilespmem:s28], [sflag:$0x4] =	stream.linear.gather [hbm4b:s15+s23], $0xC8, $0x38;
	[tilespmem:$0x11C60] =	vst v63  }
0x3f: {  	_ =	swait.ge [sflag:s26], $0xC8  }
0x40: {  	[sflag:s26] =	ssyncset.done $0x0  }
0x41: {  	[sflag:s26] =	ssyncadd.s32 $0xFFFFFF38  }
0x42: {  	[tilespmem:s29], [sflag:$0x1] =	stream.indirect.gather [hbm4b:s8+s28], $0x10, s23, s28, $0xb8;
	[tilespmem:$0x11C60] =	vst v63  }
0x43: {  	_ = 	snop  }
0x44: {  	[tilespmem:s30], [sflag:$0x2] =	stream.indirect.gather [hbm4b:s9+s28], $0x10, s28, s28, $0xb8;
	[tilespmem:$0x11C60] =	vst v63  }
0x45: {  	_ = 	snop  }
0x46: {  	[tilespmem:s31], [sflag:$0x3] =	stream.indirect.gather [hbm4b:s1+s28], $0x40, s23, s28, $0xb8;
	[tilespmem:$0x11C60] =	vst v63  }
0x47: {  	_ =	swait.ge [sflag:s0], $0xC80  }
0x48: {  	[sflag:s0] =	ssyncset.done $0x0  }
0x49: {  	[sflag:s0] =	ssyncadd.s32 $0xFFFFF380  }
0x4a: {  	_ =	swait.ge [sflag:s3], $0xC80  }
0x4b: {  	[sflag:s3] =	ssyncset.done $0x0  }
0x4c: {  	s22 =	simm.s32 $0x0;
	[sflag:s3] =	ssyncadd.s32 $0xFFFFF380  }
0x4d: {  	v1 =	vld [tilespmem:s22+$0x190]  }
0x4e: {  	v2 =	vld [tilespmem:s22+$0xE10];
	_ =	sdelay $0x4  }
0x4f: {  	v1 =	vadd.f32 v2, v1;
	_ =	sdelay $0x1  }
0x50: {  	s23 =	simm.s32 $0x10;
	v2 =	vmul.f32 $2.000000030e-01, v1  }
0x51: {  	v3 =	vld [tilespmem:s23+$0x190]  }
0x52: {  	v4 =	vld [tilespmem:s23+$0xE10];
	v1 =	vmax.f32 v1, v2  }
0x53: {  	s25 =	simm.s32 $0x20;
	v1 =	vmul.f32 $1.442695020e+00, v1  }
0x54: {  	v2 =	vld [tilespmem:s25+$0x190]  }
0x55: {  	(erf) = vpow2.f32 v1;
	v1 =	vld [tilespmem:s25+$0xE10];
	_ =	sdelay $0x1  }
0x56: {  	v3 =	vadd.f32 v4, v3;
	_ =	sdelay $0x1  }
0x57: {  	v4 =	vmul.f32 $2.000000030e-01, v3  }
0x58: {  	v5 =	vadd.f32 v1, v2  }
0x59: {  	v1 =	vmax.f32 v3, v4  }
0x5a: {  	s24 =	simm.s32 $0x30;
	v2 =	vmul.f32 $1.442695020e+00, v1;
	v3 =	vmul.f32 $2.000000030e-01, v5  }
0x5b: {  	v1 =	vld [tilespmem:s24+$0x190]  }
0x5c: {  	(erf) = vpow2.f32 v2;
	v2 =	vld [tilespmem:s24+$0xE10];
	_ =	sdelay $0x1  }
0x5d: {  	s15 =	simm.s32 $0x100;
	v4 =	vmax.f32 v5, v3;
	v3 =	vpop (erf)  }
.LBB2_3:
0x5e: {  	s16 =	sshra.s32 s15, $0x2  }
0x5f: {  	v4 =	vmul.f32 $1.442695020e+00, v4;
	[tilespmem:s22+$0x1A90] =	vst v3;
	s22 =	smov.u32 s23;
	s23 =	smov.u32 s25;
	p1 =	sne.s32 s15, $0x31C0  }
.Ltmp0:
0x60: {  	s15 =	sadd.s32 $0x40, s15;
	v3 =	vadd.f32 v2, v1;
	v1 =	vld [tilespmem:s16+$0x190];
	(pc) =	sbr.rel @p1 .LBB2_3-.Ltmp0, $3  }
0x61: {  	s25 =	smov.u32 s24;
	s24 =	smov.u32 s16;
	v2 =	vld [tilespmem:s16+$0xE10];
	(erf) = vpow2.f32 v4  }
0x62: {  	v4 =	vmul.f32 $2.000000030e-01, v3;
	_ =	sdelay $0x1  }
0x63: {  	v4 =	vmax.f32 v3, v4;
	v3 =	vpop (erf)  }
0x64: {  	_ = 	snop  }
0x65: {  	v1 =	vadd.f32 v2, v1;
	_ =	sdelay $0x1  }
0x66: {  	v2 =	vmul.f32 $2.000000030e-01, v1;
	_ =	sdelay $0x1  }
0x67: {  	v4 =	vmul.f32 $1.442695020e+00, v4;
	v1 =	vmax.f32 v1, v2  }
0x68: {  	v1 =	vmul.f32 $1.442695020e+00, v1  }
0x69: {  	(erf) = vpow2.f32 v4  }
0x6a: {  	(erf) = vpow2.f32 v1;
	_ =	sdelay $0x6  }
0x6b: {  	[tilespmem:s22+$0x1A90] =	vst v3;
	v1 =	vpop (erf)  }
0x6c: {  	[tilespmem:s23+$0x1A90] =	vst v1;
	v1 =	vpop (erf)  }
0x6d: {  	[tilespmem:s25+$0x1A90] =	vst v1;
	v1 =	vpop (erf)  }
0x6e: {  	[tilespmem:s24+$0x1A90] =	vst v1  }
0x6f: {  	[spmem:s4] =	stream.indirect.scatter.add.f32 [tilespmem:s10], [sflag:$0x4], $0x10, s28, s28, $0xb8;
	[tilespmem:$0x11C60] =	vst v63  }
0x70: {  	_ =	swait.ge [sflag:s26], $0xC80  }
0x71: {  	[sflag:s26] =	ssyncset.done $0x0  }
0x72: {  	[sflag:s26] =	ssyncadd.s32 $0xFFFFF380  }
0x73: {  	_ =	swait.ge [sflag:s11], $0x3200  }
0x74: {  	[sflag:s11] =	ssyncset.done $0x0  }
0x75: {  	s22 =	simm.s32 $0x2730;
	[sflag:s11] =	ssyncadd.s32 $0xFFFFCE00  }
0x76: {  	s15 =	simm.s32 $0x0;
	s23 =	simm.s32 $0x2730;
	s24 =	simm.s32 $0x40;
	v1 =	vld [tilespmem:s22+$0xFFFFFFF0]  }
.LBB2_5:
0x77: {  	p1 =	sne.s32 s24, $0x31C0;
	v2 =	vld [tilespmem:s15+$0x1A90]  }
0x78: {  	v3 =	vld [tilespmem:s22+$0x10]  }
0x79: {  	v4 =	vld [tilespmem:s22+$0xFFFFFFE0]  }
0x7a: {  	v5 =	vld [tilespmem:s22+$0x0];
	_ =	sdelay $0x1  }
0x7b: {  	v2 =	vperm.xlane v2, v0;
	_ =	sdelay $0x1  }
0x7c: {  	v4 =	vmul.f32 v4, v2;
	v1 =	vmul.f32 v1, v2  }
.Ltmp1:
0x7d: {  	v5 =	vmul.f32 v5, v2;
	v2 =	vmul.f32 v3, v2;
	(pc) =	sbr.rel @p1 .LBB2_5-.Ltmp1, $4  }
0x7e: {  	[tilespmem:s22+$0xFFFFFFE0] =	vst v4  }
0x7f: {  	[tilespmem:s22+$0xFFFFFFF0] =	vst v1  }
0x80: {  	s22 =	sadd.s32 $0x40, s22;
	[tilespmem:s23+$0x0] =	vst v5  }
0x81: {  	s15 =	sshra.s32 s24, $0x2;
	s24 =	sadd.s32 $0x40, s24;
	v1 =	vld [tilespmem:s22+$0xFFFFFFF0];
	[tilespmem:s23+$0x10] =	vst v2;
	s23 =	smov.u32 s22  }
0x82: {  	v2 =	vld [tilespmem:s15+$0x1A90];
	_ =	sdelay $0x1  }
0x83: {  	v3 =	vld [tilespmem:s22+$0xFFFFFFE0];
	_ =	sdelay $0x1  }
0x84: {  	v4 =	vld [tilespmem:s22+$0x0]  }
0x85: {  	v5 =	vld [tilespmem:s22+$0x10];
	v2 =	vperm.xlane v2, v0;
	_ =	sdelay $0x1  }
0x86: {  	v3 =	vmul.f32 v3, v2  }
0x87: {  	v1 =	vmul.f32 v1, v2  }
0x88: {  	v4 =	vmul.f32 v4, v2;
	[tilespmem:s22+$0xFFFFFFE0] =	vst v3  }
0x89: {  	s21 =	sadd.s32 $0x1, s21;
	v2 =	vmul.f32 v5, v2;
	[tilespmem:s22+$0xFFFFFFF0] =	vst v1  }
0x8a: {  	p1 =	sne.s32 s21, $0x32;
	[tilespmem:s23+$0x0] =	vst v4  }
.Ltmp2:
0x8b: {  	[tilespmem:s23+$0x10] =	vst v2;
	(pc) =	sbr.rel @p1 .LBB2_2-.Ltmp2, $4  }
0x8c: {  	[spmem:s2] =	stream.indirect.scatter.add.f32 [tilespmem:s31], [sflag:$0x4], $0x40, s28, s28, $0xb8;
	[tilespmem:$0x11C60] =	vst v63  }
0x8d: {  	_ =	swait.ge [sflag:s26], $0x3200  }
0x8e: {  	[sflag:s26] =	ssyncset.done $0x0  }
0x8f: {  	[sflag:s26] =	ssyncadd.s32 $0xFFFFCE00  }
0x90: {  	[bflag:$0x0] =	sbarrier.arrive $0xFFFF  }
0x91: {  	s15 =	rddreg [dreg:$0xb]  }
0x92: {  	[hbm:s15], [sflag:s12] =	dma.local [spmem:s13], $0x1380  }
0x93: {  	_ =	swait.ge [sflag:s26], $0x1380  }
0x94: {  	[sflag:s26] =	ssyncset.done $0x0  }
0x95: {  	s13 =	rddreg [dreg:$0xe];
	[sflag:s26] =	ssyncadd.s32 $0xFFFFEC80  }
0x96: {  	[hbm:s13], [sflag:s12] =	dma.local @p0 [spmem:s14], $0x4E0  }
0x97: {  	s13 =	simm.s32 @p0 $0x4  }
0x98: {  	_ =	swait.ge @p0 [sflag:s13], $0x4E0  }
0x99: {  	[sflag:s13] =	ssyncset.done @p0 $0x0  }
0x9a: {  	[sflag:s13] =	ssyncadd.s32 @p0 $0xFFFFFB20;
	s13 =	rddreg [dreg:$0xf]  }
0x9b: {  	[hbm:s13], [sflag:s12] =	dma.local @!p0 [spmem:s17], $0x80  }
0x9c: {  	s13 =	simm.s32 @!p0 $0x4  }
0x9d: {  	_ =	swait.ge @!p0 [sflag:s13], $0x80  }
0x9e: {  	[sflag:s13] =	ssyncset.done @!p0 $0x0  }
0x9f: {  	s14 =	rddreg [dreg:$0x10];
	[sflag:s13] =	ssyncadd.s32 @!p0 $0xFFFFFF80  }
0xa0: {  	[hbm:s14], [sflag:s12] =	dma.local @!p0 [spmem:s18], $0x4E0  }
0xa1: {  	_ =	swait.ge @!p0 [sflag:s13], $0x4E0  }
0xa2: {  	[sflag:s13] =	ssyncset.done @!p0 $0x0  }
0xa3: {  	s14 =	rddreg [dreg:$0x11];
	[sflag:s13] =	ssyncadd.s32 @!p0 $0xFFFFFB20  }
0xa4: {  	[hbm:s14], [sflag:s12] =	dma.local @!p0 [spmem:s19], $0x20  }
0xa5: {  	_ =	swait.ge @!p0 [sflag:s13], $0x20  }
0xa6: {  	s5 =	sadd.s32 $0x1, s5;
	s25 =	rddreg [dreg:$0x12]  }
0xa7: {  	p1 =	sne.s32 s5, s25  }
.Ltmp3:
0xa8: {  	_ = 	snop;
	(pc) =	sbr.rel @p1 .LBB2_1-.Ltmp3, $3  }
0xa9: {  	_ =	sdelay $0x1  }
0xaa: {  	[sflag:s13] =	ssyncset.done @!p0 $0x0  }
0xab: {  	[sflag:s13] =	ssyncadd.s32 @!p0 $0xFFFFFFE0  }
0xac: {  	_ =	sfence.sel $0x180000  }
0xad: {  	[bflag:$0x0] =	sbarrier.arrive $0xFFFF  }
0xae: {  	_ =	strace $0x9000004A  }
0xaf: {  	s0 =	stileid.u32;
	[bflag:$0x2] =	sbarrier.arrive $0xFFFF  }
0xb0: {  	p0 =	sne.s32 s0, $0x0;
	s0 =	rddreg [dreg:$0x4]  }
0xb1: {  	s0 =	sadd.s32 @!p0 $0x100000, s0  }
0xb2: {  	[sflag:s0] =	ssyncadd.tile.s32 @!p0 $0x1;
	_ =	shalt  }
.Lfunc_end2:
_tile_overlayer_lowered:
.L_overlay_start_2:
0xb3: {  	(tag) =	ssettag $0x2  }
0xb4: {  	s0 =	rddreg [dreg:$0x0];
	s2 =	stileid.u32  }
0xb5: {  	s1 =	rddreg [dreg:$0x1];
	p0 =	sne.s32 s2, $0x0  }
0xb6: {  	s3 =	rddreg [dreg:$0x2];
	[bflag:$0x3] =	sbarrier.arrive $0xFFFF;
	s2 =	simm.s32 @!p0 $0x1C04  }
0xb7: {  	[timem:s3], [sflag:s2] =	dma.local @!p0 [hbm:s0], s1  }
0xb8: {  	s0 =	simm.s32 @!p0 $0x4  }
0xb9: {  	_ =	swait.ge @!p0 [sflag:s0], s1  }
0xba: {  	s1 =	ssub.s32 @!p0 $0x0, s1;
	[sflag:s0] =	ssyncset.done @!p0 $0x0  }
0xbb: {  	[sflag:s0] =	ssyncadd.s32 @!p0 s1  }
0xbc: {  	[bflag:$0x3] =	sbarrier.arrive $0xFFFF  }
0xbd: {  	_ =	shalt  }

// kernel: kernel.8.cloned.1.call-start
scs
__scs_entry_jumppad:
0x0: {  	(pc) =	sbr.rel $0x88, $3  }
0x1: {  	(tag) =	ssettag $0x0;
	lr =	simm.s32 $0x1  }
0x2: {  	[smem:$0x3F97] =	sst lr;
	_ =	strace $0xD0000000  }
0x3: {  	_ = 	snop  }
0x4: {  	_ = 	snop  }
0x5: {  	_ = 	snop  }
0x6: {  	_ = 	snop  }
0x7: {  	_ = 	snop  }
__scs_overlays_trampoline_lowered:
0x8: {  	[smem:$0x3FA6] =	sst s0  }
0x9: {  	[smem:$0x3FA7] =	sst s1  }
0xa: {  	[smem:$0x3FA8] =	sst s2  }
0xb: {  	[smem:$0x3FA9] =	sst s3  }
0xc: {  	[smem:$0x3FAA] =	sst s4  }
0xd: {  	[smem:$0x3FAB] =	sst s5  }
0xe: {  	[smem:$0x3FAC] =	sst s6  }
0xf: {  	[smem:$0x3FAD] =	sst s7  }
0x10: {  	[smem:$0x3FAE] =	sst s8  }
0x11: {  	[smem:$0x3FAF] =	sst s9;
	s0 =	simm.s32 @!p0 $0x0  }
0x12: {  	s1 =	sld [smem:$0x3F95];
	s0 =	simm.s32 @p0 $0x1  }
0x13: {  	[smem:$0x3FB0] =	sst s0;
	s0 =	simm.s32 @!p1 $0x0  }
0x14: {  	s2 =	sld [smem:$0x3F94];
	s0 =	simm.s32 @p1 $0x1  }
0x15: {  	[smem:$0x3FB1] =	sst s0;
	s0 =	simm.s32 @!p2 $0x0  }
0x16: {  	s3 =	sld [smem:$0x3FDB];
	s0 =	simm.s32 @p2 $0x1  }
0x17: {  	s4 =	simm.s32 $0x1BF5;
	[smem:$0x3FB3] =	sst s0  }
0x18: {  	s0 =	sld [smem:$0x3F96];
	_ =	swait.ge [sflag:s4], $0x0  }
0x19: {  	s7 =	sld [smem:$0x3F97]  }
0x1a: {  	s8 =	sadd.s32 $0xFFFFE003, lr  }
0x1b: {  	s9 =	sadd.s32 $0xFFFFFEF7, lr;
	s5 =	simm.s32 $0xFFFFFFFF;
	p2 =	slt.u32 s8, $0xFFFFF086  }
0x1c: {  	p1 =	slt.u32 s9, $0xF7A;
	s5 =	simm.s32 @!p2 $0x0  }
0x1d: {  	s5 =	simm.s32 @p1 $0x1;
	p0 =	seq.s32 s7, s2  }
0x1e: {  	s7 =	smul.u32 @!p0 $0xF7A, s2;
	p2 =	seq.s32 @!p0 s5, $0x0  }
0x1f: {  	s9 =	smul.u32 $0xF7A, s1;
	s8 =	simm.s32 @!p0 $0x1BF5;
	p2 =	por !p2, p0  }
0x20: {  	[sflag:s8] =	ssyncset.s32 @!p0 $0xFFFFF086;
	s6 =	sadd.s32 @!p0 s3, s7;
	s7 =	simm.s32 @!p0 $0x108  }
0x21: {  	s3 =	sadd.s32 s3, s9;
	s6 =	sadd.s32 @!p0 $0x88, s6;
	s7 =	simm.s32 @p2 $0x1082  }
0x22: {  	[simem:s7], [sflag:s8] =	dma.local @!p0 [hbm:s6], $0xF7A  }
0x23: {  	s9 =	sor.u32 $0xD0000000, s2;
	s6 =	simm.s32 $0x108;
	_ =	swait.ge @!p0 [sflag:s8], $0x0  }
0x24: {  	s3 =	sadd.s32 $0x88, s3;
	s6 =	simm.s32 @!p1 $0x1082;
	[sflag:s4] =	ssyncset.s32 $0xFFFFF086  }
0x25: {  	[simem:s6], [sflag:s4] =	dma.local [hbm:s3], $0xF7A  }
0x26: {  	[smem:$0x3F97] =	sst s1;
	(tag) =	ssettag s2;
	_ =	strace s9  }
0x27: {  	s1 =	sld [smem:$0x3FA7]  }
0x28: {  	s2 =	sld [smem:$0x3FA8]  }
0x29: {  	s4 =	sld [smem:$0x3FAA]  }
0x2a: {  	p0 =	seq.s32 s5, $0x0;
	s5 =	sld [smem:$0x3FAB]  }
0x2b: {  	s6 =	sld [smem:$0x3FAC]  }
0x2c: {  	s7 =	sld [smem:$0x3FAD]  }
0x2d: {  	s3 =	simm.s32 $0x108;
	s8 =	sld [smem:$0x3FAE]  }
0x2e: {  	s3 =	simm.s32 @!p0 $0x1082;
	s9 =	sld [smem:$0x3FAF]  }
0x2f: {  	lr =	sadd.s32 s0, s3;
	s0 =	sld [smem:$0x3FA6]  }
0x30: {  	s3 =	sld [smem:$0x3FA9]  }
0x31: {  	[smem:$0x3FB2] =	sst s10  }
0x32: {  	s10 =	sld [smem:$0x3FB0];
	_ =	sdelay $0x3  }
0x33: {  	p0 =	seq.s32 s10, $0x1;
	s10 =	sld [smem:$0x3FB2];
	_ =	sdelay $0x3  }
0x34: {  	[smem:$0x3FB2] =	sst s10  }
0x35: {  	s10 =	sld [smem:$0x3FB1];
	_ =	sdelay $0x3  }
0x36: {  	p1 =	seq.s32 s10, $0x1;
	s10 =	sld [smem:$0x3FB2];
	_ =	sdelay $0x3  }
0x37: {  	[smem:$0x3FB2] =	sst s10  }
0x38: {  	s10 =	sld [smem:$0x3FB3]  }
0x39: {  	_ = 	snop;
	(pc) =	sbr.ind lr, $3  }
0x3a: {  	_ = 	snop  }
0x3b: {  	_ = 	snop  }
0x3c: {  	p2 =	seq.s32 s10, $0x1;
	s10 =	sld [smem:$0x3FB2]  }
0x3d: {  	_ =	shalt  }
0x3e: {  	_ =	shalt  }
0x3f: {  	_ =	shalt  }
0x40: {  	_ =	shalt  }
0x41: {  	_ =	shalt  }
0x42: {  	_ =	shalt  }
0x43: {  	_ =	shalt  }
0x44: {  	_ =	shalt  }
0x45: {  	_ =	shalt  }
0x46: {  	_ =	shalt  }
0x47: {  	_ =	shalt  }
0x48: {  	_ =	shalt  }
0x49: {  	_ =	shalt  }
0x4a: {  	_ =	shalt  }
0x4b: {  	_ =	shalt  }
0x4c: {  	_ =	shalt  }
0x4d: {  	_ =	shalt  }
0x4e: {  	_ =	shalt  }
0x4f: {  	_ =	shalt  }
0x50: {  	_ =	shalt  }
0x51: {  	_ =	shalt  }
0x52: {  	_ =	shalt  }
0x53: {  	_ =	shalt  }
0x54: {  	_ =	shalt  }
0x55: {  	_ =	shalt  }
0x56: {  	_ =	shalt  }
0x57: {  	_ =	shalt  }
0x58: {  	_ =	shalt  }
0x59: {  	_ =	shalt  }
0x5a: {  	_ =	shalt  }
0x5b: {  	_ =	shalt  }
0x5c: {  	_ =	shalt  }
0x5d: {  	_ =	shalt  }
0x5e: {  	_ =	shalt  }
0x5f: {  	_ =	shalt  }
0x60: {  	_ =	shalt  }
0x61: {  	_ =	shalt  }
0x62: {  	_ =	shalt  }
0x63: {  	_ =	shalt  }
0x64: {  	_ =	shalt  }
0x65: {  	_ =	shalt  }
0x66: {  	_ =	shalt  }
0x67: {  	_ =	shalt  }
0x68: {  	_ =	shalt  }
0x69: {  	_ =	shalt  }
0x6a: {  	_ =	shalt  }
0x6b: {  	_ =	shalt  }
0x6c: {  	_ =	shalt  }
0x6d: {  	_ =	shalt  }
0x6e: {  	_ =	shalt  }
0x6f: {  	_ =	shalt  }
0x70: {  	_ =	shalt  }
0x71: {  	_ =	shalt  }
0x72: {  	_ =	shalt  }
0x73: {  	_ =	shalt  }
0x74: {  	_ =	shalt  }
0x75: {  	_ =	shalt  }
0x76: {  	_ =	shalt  }
0x77: {  	_ =	shalt  }
0x78: {  	_ =	shalt  }
0x79: {  	_ =	shalt  }
0x7a: {  	_ =	shalt  }
0x7b: {  	_ =	shalt  }
0x7c: {  	_ =	shalt  }
0x7d: {  	_ =	shalt  }
0x7e: {  	_ =	shalt  }
0x7f: {  	_ =	shalt  }
0x80: {  	_ =	shalt  }
0x81: {  	_ =	shalt  }
0x82: {  	_ =	shalt  }
0x83: {  	_ =	shalt  }
0x84: {  	_ =	shalt  }
0x85: {  	_ =	shalt  }
0x86: {  	_ =	shalt  }
0x87: {  	_ =	shalt  }
.Lfunc_end0:
.L_simem_size_0:
called_computation_lowered:
.L_overlay_start_0:
0x88: {  	s2 =	sld [smem:$0x3FD9]  }
0x89: {  	s3 =	sld [smem:$0x3FFE];
	_ =	sdelay $0x1  }
0x8a: {  	s1 =	srdreg.scid  }
0x8b: {  	s0 =	sand.u32 $0x1, s1  }
0x8c: {  	s17 =	sshll.u32 s0, $0xA;
	s2 =	sadd.s32 s3, s2  }
0x8d: {  	s2 =	sadd.s32 s2, s17  }
0x8e: {  	[smem:$0x3FBE] =	sst s2  }
0x8f: {  	_ = 	snop  }
0x90: {  	s2 =	sld [smem:$0x3FD0];
	(tm) =	ssettm $0x1  }
0x91: {  	s18 =	sld [smem:$0x3FFB];
	_ =	sdelay $0x3  }
0x92: {  	_ =	strace s18  }
0x93: {  	s3 =	sld [smem:$0x3FFC];
	_ =	sdelay $0x3  }
0x94: {  	_ =	strace s3  }
0x95: {  	s3 =	sld [smem:$0x3FFD];
	_ =	sdelay $0x3  }
0x96: {  	_ =	strace s3  }
0x97: {  	_ =	strace $0x8FFFFFFF  }
0x98: {  	s19 =	sld [smem:$0x3FDB];
	_ =	sdelay $0x1  }
0x99: {  	s4 =	simm.s32 $_scs_section_size  }
0x9a: {  	s5 =	simm.s32 $_size__tile_overlayer_lowered;
	s6 =	simm.s32 $_tile_overlayer_lowered  }
0x9b: {  	s22 =	simm.s32 $0x1BFF;
	s21 =	sshll.u32 s6, $0x1;
	s3 =	sadd.s32 s4, s19  }
0x9c: {  	s7 =	simm.s32 $0x0;
	s20 =	sshll.u32 s5, $0x1;
	s5 =	sadd.s32 s21, s3  }
0x9d: {  	[timem:s7], [sflag:s22] =	dma.local [hbm:s5], s20  }
0x9e: {  	_ =	swait.ge [sflag:s22], s20  }
0x9f: {  	s4 =	ssub.s32 $0x0, s20;
	[sflag:s22] =	ssyncset.done $0x0  }
0xa0: {  	[sflag:s22] =	ssyncadd.s32 s4;
	_ =	sdelay $0x1  }
0xa1: {  	s23 =	simm.s32 $0x1B8B  }
0xa2: {  	_ =	swait.ge [sflag:s23], $0x1  }
0xa3: {  	[sflag:s23] =	ssyncset.done $0x0  }
0xa4: {  	s25 =	simm.s32 $0x1B8E;
	s24 =	sld [smem:$0x3FFE];
	[sflag:s23] =	ssyncadd.s32 $0xFFFFFFFF  }
0xa5: {  	s26 =	simm.s32 $execute0_lowered;
	[smem:$0x3FD2] =	sst s25  }
0xa6: {  	s5 =	sshll.u32 s26, $0x1;
	_ =	strace $0x80000046;
	[dreg:$0x1] =	wrdreg $0xFFFFFFFF  }
0xa7: {  	s28 =	simm.s32 $_size_execute0_lowered;
	s3 =	sadd.s32 s3, s5;
	[dreg:$0x0] =	wrdreg $0x0  }
0xa8: {  	s5 =	sshll.u32 s28, $0x1;
	[dreg:$0x2] =	wrdreg s3  }
0xa9: {  	[dreg:$0x3] =	wrdreg s5  }
0xaa: {  	[dreg:$0x4] =	wrdreg $0xC0  }
0xab: {  	_ =	task [dreg:s7], $0x5FFFF  }
0xac: {  	[dreg:$0x1] =	wrdreg $0xFFFFFFFF  }
0xad: {  	[dreg:$0x0] =	wrdreg $0x60  }
0xae: {  	[dreg:$0x2] =	wrdreg s24  }
0xaf: {  	[dreg:$0x3] =	wrdreg s2  }
0xb0: {  	[dreg:$0x4] =	wrdreg $0x8B100  }
0xb1: {  	[dreg:$0x5] =	wrdreg $0x1C3900  }
0xb2: {  	[dreg:$0x6] =	wrdreg $0x9  }
0xb3: {  	_ =	task.clear_ibuf [dreg:s7], $0x7FFFF;
	_ =	strace $0x90000046  }
0xb4: {  	s29 =	simm.s32 $0x9;
	_ =	strace $0x80000048  }
0xb5: {  	_ =	swait.ge [sflag:s29], $0x1  }
0xb6: {  	[sflag:s29] =	ssyncadd.s32 $0xFFFFFFFF  }
0xb7: {  	_ =	strace $0x90000048  }
0xb8: {  	_ =	sfence  }
0xb9: {  	s30 =	sld [smem:$0x0];
	_ =	sdelay $0x2  }
0xba: {  	s31 =	sshll.u32 s1, $0xD;
	s1 =	sshrl.u32 s1, $0x2  }
0xbb: {  	s3 =	sand.u32 $0x4000, s31;
	s1 =	sadd.s32 s1, s30  }
0xbc: {  	s0 =	sor.u32 s3, s0;
	s1 =	sshll.u32 s1, $0x11  }
0xbd: {  	s0 =	sor.u32 s1, s0  }
0xbe: {  	s0 =	sadd.s32 $0x8F2B, s0  }
0xbf: {  	[sflag:s0] =	ssyncadd.remote.s32 $0x1  }
0xc0: {  	_ =	sfence.sel $0xFFFF  }
0xc1: {  	[dreg:$0x0] =	wrdreg $0xFFFFFFFF;
	(pc) =	sbr.abs _section_cstart, $3  }
0xc2: {  	[dreg:$0x1] =	wrdreg $0xFFFFFFFF  }
0xc3: {  	_ =	task.clear_ibuf [dreg:s7], $0x2FFFF;
	_ =	strace $0x9FFFFFFF  }
0xc4: {  	(tm) =	ssettm $0x7FFFFFFF  }
0xc5: {  	_ =	shalt  }
tec
execute0_lowered:
.L_overlay_start_1:
0x0: {  	(tag) =	ssettag $0x1  }
0x1: {  	s0 =	rddreg [dreg:$0x0]  }
0x2: {  	s4 =	rddreg [dreg:$0x1]  }
0x3: {  	s1 =	rddreg [dreg:$0x2]  }
0x4: {  	s2 =	rddreg [dreg:$0x3];
	s3 =	simm.s32 $0x0;
	s19 =	stileid.u32  }
0x5: {  	s9 =	srdreg.scid;
	s28 =	simm.s32 $0xC8;
	s29 =	simm.s32 $0x190  }
0x6: {  	s30 =	simm.s32 $0xE10;
	s31 =	simm.s32 $0x2710;
	[smem:$0x7FF] =	sst s3  }
0x7: {  	s5 =	sadd.s32 $0x3D400, s0;
	s6 =	sadd.s32 $0x33600, s0;
	s10 =	smul.u32 $0x13800, s19  }
0x8: {  	s7 =	sadd.s32 $0x2400, s0;
	s8 =	sadd.s32 $0x2E600, s0;
	s11 =	smul.u32 $0x2700, s19  }
0x9: {  	s13 =	sand.u32 $0x1, s9;
	s9 =	sadd.s32 $0x29600, s0;
	s17 =	sadd.s32 $0x73400, s0  }
0xa: {  	s23 =	sshll.u32 s19, $0x6;
	s24 =	sadd.s32 $0x138000, s1;
	s25 =	sadd.s32 $0x73200, s0  }
0xb: {  	s20 =	sadd.s32 $0x27000, s2;
	_ =	strace $0x80000047;
	[dreg:$0x7] =	wrdreg s24  }
0xc: {  	p0 =	sne.s32 s19, $0xF;
	s14 =	ssub.s32 $0x2, s13;
	[dreg:$0x8] =	wrdreg s25  }
0xd: {  	s18 =	smul.u32 $0x138800, s13;
	[dreg:$0xc] =	wrdreg s20;
	s21 =	sshll.u32 s13, $0x4  }
0xe: {  	s12 =	sshrl.u32 s10, $0x3;
	s15 =	sshrl.u32 s11, $0x3;
	s16 =	sshrl.u32 s14, $0x1  }
0xf: {  	s22 =	sadd.s32 s10, s1;
	s26 =	sadd.s32 s11, s2;
	s12 =	sadd.s32 s12, s0  }
0x10: {  	s15 =	sadd.s32 s15, s0;
	s14 =	ssub.s32 s14, s16;
	[dreg:$0x5] =	wrdreg s22  }
0x11: {  	[dreg:$0x9] =	wrdreg s26;
	s10 =	sadd.s32 s10, s18;
	s16 =	sshrl.u32 s18, $0x3  }
0x12: {  	s18 =	smul.u32 $0x27100, s13;
	s0 =	sadd.s32 $0x4C000, s0;
	s12 =	sadd.s32 $0x4C200, s12  }
0x13: {  	s15 =	sadd.s32 $0x47200, s15;
	s10 =	sshrl.u32 s10, $0x3;
	[dreg:$0xd] =	wrdreg s0  }
0x14: {  	s0 =	sor.u32 s19, s21;
	s26 =	smax.u32 s14, $0x1;
	[dreg:$0x6] =	wrdreg s12  }
0x15: {  	s12 =	sor.u32 $0x1C04, s23;
	[dreg:$0xa] =	wrdreg s15;
	s10 =	sadd.s32 s17, s10  }
0x16: {  	s15 =	sadd.s32 s17, s16;
	s11 =	sadd.s32 s11, s18;
	[dreg:$0x12] =	wrdreg s26  }
0x17: {  	s20 =	smul.u32 $0x2710, s0;
	s26 =	simm.s32 $0x4;
	[dreg:$0xb] =	wrdreg s10  }
0x18: {  	s10 =	sshrl.u32 s18, $0x3;
	s22 =	sshrl.u32 s11, $0x3;
	s23 =	sadd.s32 $0x27000, s15  }
0x19: {  	s10 =	sadd.s32 s4, s10;
	s0 =	sadd.s32 s4, s22;
	[dreg:$0xf] =	wrdreg s23  }
0x1a: {  	s11 =	simm.s32 $0x3;
	[dreg:$0xe] =	wrdreg s0;
	s24 =	sadd.s32 $0x4920, s10  }
0x1b: {  	v0 =	vimm.s32 $0x0;
	s4 =	simm.s32 $0x2;
	s25 =	sadd.s32 $0x4E00, s10;
	[dreg:$0x10] =	wrdreg s24  }
0x1c: {  	v1 =	vimm.s32 $0x1;
	v2 =	vimm.s32 $0x2;
	v3 =	vimm.s32 $0x3;
	s0 =	simm.s32 $0x1;
	s10 =	simm.s32 $0x1A90;
	[dreg:$0x11] =	wrdreg s25  }
.LBB2_1:
0x1d: {  	s13 =	rddreg [dreg:$0x5]  }
0x1e: {  	s14 =	rddreg [dreg:$0x6];
	s13 =	sshrl.u32 s13, $0x3  }
0x1f: {  	[spmem:s13], [sflag:s12] =	dma.local [hbm:s14], $0x2700  }
0x20: {  	_ =	swait.ge [sflag:s26], $0x2700  }
0x21: {  	s15 =	simm.s32 @p0 $0x4;
	[sflag:s26] =	ssyncset.done $0x0;
	s16 =	rddreg [dreg:$0x9]  }
0x22: {  	s19 =	rddreg [dreg:$0xa];
	[sflag:s26] =	ssyncadd.s32 $0xFFFFD900;
	s14 =	sshrl.u32 @p0 s16, $0x3  }
0x23: {  	[spmem:s14], [sflag:s12] =	dma.local @p0 [hbm:s19], $0x4E0  }
0x24: {  	_ =	swait.ge @p0 [sflag:s15], $0x4E0  }
0x25: {  	[sflag:s15] =	ssyncset.done @p0 $0x0  }
0x26: {  	[sflag:s15] =	ssyncadd.s32 @p0 $0xFFFFFB20;
	s15 =	rddreg [dreg:$0x7]  }
0x27: {  	s17 =	sshrl.u32 @!p0 s15, $0x3;
	s15 =	rddreg [dreg:$0x8]  }
0x28: {  	[spmem:s17], [sflag:s12] =	dma.local @!p0 [hbm:s15], $0x100  }
0x29: {  	s15 =	simm.s32 @!p0 $0x4  }
0x2a: {  	_ =	swait.ge @!p0 [sflag:s15], $0x100  }
0x2b: {  	[sflag:s15] =	ssyncset.done @!p0 $0x0  }
0x2c: {  	s18 =	sshrl.u32 @!p0 s16, $0x3;
	[sflag:s15] =	ssyncadd.s32 @!p0 $0xFFFFFF00  }
0x2d: {  	[spmem:s18], [sflag:s12] =	dma.local @!p0 [hbm:s19], $0x4E0  }
0x2e: {  	_ =	swait.ge @!p0 [sflag:s15], $0x4E0  }
0x2f: {  	[sflag:s15] =	ssyncset.done @!p0 $0x0;
	s16 =	rddreg [dreg:$0xc]  }
0x30: {  	[sflag:s15] =	ssyncadd.s32 @!p0 $0xFFFFFB20;
	s19 =	sshrl.u32 @!p0 s16, $0x3;
	s16 =	rddreg [dreg:$0xd]  }
0x31: {  	[spmem:s19], [sflag:s12] =	dma.local @!p0 [hbm:s16], $0x20  }
0x32: {  	_ =	swait.ge @!p0 [sflag:s15], $0x20  }
0x33: {  	[sflag:s15] =	ssyncset.done @!p0 $0x0  }
0x34: {  	[sflag:s15] =	ssyncadd.s32 @!p0 $0xFFFFFFE0  }
0x35: {  	s21 =	simm.s32 $0x0;
	[bflag:$0x0] =	sbarrier.arrive $0xFFFF  }
.LBB2_2:
0x36: {  	s15 =	smul.u32 $0xC8, s21;
	_ =	sdelay $0x1  }
0x37: {  	s15 =	sadd.s32 s20, s15  }
0x38: {  	s15 =	sshrl.u32 s15, $0x3  }
0x39: {  	s23 =	simm.s32 $0x0;
	s22 =	sadd.s32 s5, s15  }
0x3a: {  	[tilespmem:s23], [sflag:$0x4] =	stream.linear.gather [hbm4b:s22+s23], $0xC8, $0x38;
	[tilespmem:$0x1EAA0] =	vst v63  }
0x3b: {  	_ =	swait.ge [sflag:s26], $0xC8  }
0x3c: {  	[sflag:s26] =	ssyncset.done $0x0  }
0x3d: {  	s15 =	sadd.s32 s6, s15;
	[sflag:s26] =	ssyncadd.s32 $0xFFFFFF38  }
0x3e: {  	[tilespmem:s28], [sflag:$0x4] =	stream.linear.gather [hbm4b:s15+s23], $0xC8, $0x38;
	[tilespmem:$0x1EAA0] =	vst v63  }
0x3f: {  	_ =	swait.ge [sflag:s26], $0xC8  }
0x40: {  	[sflag:s26] =	ssyncset.done $0x0  }
0x41: {  	[sflag:s26] =	ssyncadd.s32 $0xFFFFFF38  }
0x42: {  	[tilespmem:s29], [sflag:$0x1] =	stream.indirect.gather [hbm4b:s8+s28], $0x10, s23, s28, $0xb8;
	[tilespmem:$0x1EAA0] =	vst v63  }
0x43: {  	_ = 	snop  }
0x44: {  	[tilespmem:s30], [sflag:$0x2] =	stream.indirect.gather [hbm4b:s9+s28], $0x10, s28, s28, $0xb8;
	[tilespmem:$0x1EAA0] =	vst v63  }
0x45: {  	_ = 	snop  }
0x46: {  	[tilespmem:s31], [sflag:$0x3] =	stream.indirect.gather [hbm4b:s7+s28], $0x80, s23, s28, $0xb8;
	[tilespmem:$0x1EAA0] =	vst v63  }
0x47: {  	_ =	swait.ge [sflag:s0], $0xC80  }
0x48: {  	[sflag:s0] =	ssyncset.done $0x0  }
0x49: {  	[sflag:s0] =	ssyncadd.s32 $0xFFFFF380  }
0x4a: {  	_ =	swait.ge [sflag:s4], $0xC80  }
0x4b: {  	[sflag:s4] =	ssyncset.done $0x0  }
0x4c: {  	s22 =	simm.s32 $0x0;
	[sflag:s4] =	ssyncadd.s32 $0xFFFFF380  }
0x4d: {  	v4 =	vld [tilespmem:s22+$0x190]  }
0x4e: {  	v5 =	vld [tilespmem:s22+$0xE10];
	_ =	sdelay $0x4  }
0x4f: {  	v4 =	vadd.f32 v5, v4;
	_ =	sdelay $0x1  }
0x50: {  	s23 =	simm.s32 $0x10;
	v5 =	vmul.f32 $2.000000030e-01, v4  }
0x51: {  	v6 =	vld [tilespmem:s23+$0x190]  }
0x52: {  	v7 =	vld [tilespmem:s23+$0xE10];
	v4 =	vmax.f32 v4, v5  }
0x53: {  	s25 =	simm.s32 $0x20;
	v4 =	vmul.f32 $1.442695020e+00, v4  }
0x54: {  	v5 =	vld [tilespmem:s25+$0x190]  }
0x55: {  	(erf) = vpow2.f32 v4;
	v4 =	vld [tilespmem:s25+$0xE10];
	_ =	sdelay $0x1  }
0x56: {  	v6 =	vadd.f32 v7, v6;
	_ =	sdelay $0x1  }
0x57: {  	v7 =	vmul.f32 $2.000000030e-01, v6  }
0x58: {  	v8 =	vadd.f32 v4, v5  }
0x59: {  	v4 =	vmax.f32 v6, v7  }
0x5a: {  	s24 =	simm.s32 $0x30;
	v5 =	vmul.f32 $1.442695020e+00, v4;
	v6 =	vmul.f32 $2.000000030e-01, v8  }
0x5b: {  	v4 =	vld [tilespmem:s24+$0x190]  }
0x5c: {  	(erf) = vpow2.f32 v5;
	v5 =	vld [tilespmem:s24+$0xE10];
	_ =	sdelay $0x1  }
0x5d: {  	s15 =	simm.s32 $0x100;
	v7 =	vmax.f32 v8, v6;
	v6 =	vpop (erf)  }
.LBB2_3:
0x5e: {  	s16 =	sshra.s32 s15, $0x2  }
0x5f: {  	v7 =	vmul.f32 $1.442695020e+00, v7;
	[tilespmem:s22+$0x1A90] =	vst v6;
	s22 =	smov.u32 s23;
	s23 =	smov.u32 s25;
	p1 =	sne.s32 s15, $0x31C0  }
.Ltmp0:
0x60: {  	s15 =	sadd.s32 $0x40, s15;
	v6 =	vadd.f32 v5, v4;
	v4 =	vld [tilespmem:s16+$0x190];
	(pc) =	sbr.rel @p1 .LBB2_3-.Ltmp0, $3  }
0x61: {  	s25 =	smov.u32 s24;
	s24 =	smov.u32 s16;
	v5 =	vld [tilespmem:s16+$0xE10];
	(erf) = vpow2.f32 v7  }
0x62: {  	v7 =	vmul.f32 $2.000000030e-01, v6;
	_ =	sdelay $0x1  }
0x63: {  	v7 =	vmax.f32 v6, v7;
	v6 =	vpop (erf)  }
0x64: {  	_ = 	snop  }
0x65: {  	v4 =	vadd.f32 v5, v4;
	_ =	sdelay $0x1  }
0x66: {  	v5 =	vmul.f32 $2.000000030e-01, v4;
	_ =	sdelay $0x1  }
0x67: {  	v7 =	vmul.f32 $1.442695020e+00, v7;
	v4 =	vmax.f32 v4, v5  }
0x68: {  	v4 =	vmul.f32 $1.442695020e+00, v4  }
0x69: {  	(erf) = vpow2.f32 v7  }
0x6a: {  	(erf) = vpow2.f32 v4;
	_ =	sdelay $0x6  }
0x6b: {  	[tilespmem:s22+$0x1A90] =	vst v6;
	v4 =	vpop (erf)  }
0x6c: {  	[tilespmem:s23+$0x1A90] =	vst v4;
	v4 =	vpop (erf)  }
0x6d: {  	[tilespmem:s25+$0x1A90] =	vst v4;
	v4 =	vpop (erf)  }
0x6e: {  	[tilespmem:s24+$0x1A90] =	vst v4  }
0x6f: {  	[spmem:s2] =	stream.indirect.scatter.add.f32 [tilespmem:s10], [sflag:$0x4], $0x10, s28, s28, $0xb8;
	[tilespmem:$0x1EAA0] =	vst v63  }
0x70: {  	_ =	swait.ge [sflag:s26], $0xC80  }
0x71: {  	[sflag:s26] =	ssyncset.done $0x0  }
0x72: {  	[sflag:s26] =	ssyncadd.s32 $0xFFFFF380  }
0x73: {  	_ =	swait.ge [sflag:s11], $0x6400  }
0x74: {  	[sflag:s11] =	ssyncset.done $0x0  }
0x75: {  	s22 =	simm.s32 $0x2750;
	[sflag:s11] =	ssyncadd.s32 $0xFFFF9C00  }
0x76: {  	s15 =	simm.s32 $0x0;
	v11 =	vld [tilespmem:s22+$0xFFFFFFD0]  }
0x77: {  	v6 =	vld [tilespmem:s15+$0x1A90]  }
0x78: {  	v9 =	vld [tilespmem:s22+$0x20]  }
0x79: {  	v12 =	vld [tilespmem:s22+$0xFFFFFFC0]  }
0x7a: {  	v15 =	vld [tilespmem:s22+$0xFFFFFFE0]  }
0x7b: {  	v4 =	vld [tilespmem:s22+$0xFFFFFFF0]  }
0x7c: {  	v5 =	vld [tilespmem:s22+$0x30];
	v13 =	vperm.xlane v6, v0;
	v10 =	vperm.xlane v6, v3  }
0x7d: {  	v7 =	vld [tilespmem:s22+$0x0];
	v8 =	vperm.xlane v6, v1  }
0x7e: {  	v14 =	vmul.f32 v12, v13;
	v12 =	vmul.f32 v9, v10;
	v9 =	vld [tilespmem:s22+$0x10]  }
0x7f: {  	v6 =	vperm.xlane v6, v2  }
0x80: {  	s23 =	simm.s32 $0x40;
	s24 =	simm.s32 $0x2750;
	v13 =	vmul.f32 v11, v13;
	v11 =	vmul.f32 v15, v8  }
.LBB2_5:
0x81: {  	p1 =	sne.s32 s23, $0x31C0  }
0x82: {  	[tilespmem:s22+$0xFFFFFFC0] =	vst v14;
	v7 =	vmul.f32 v7, v6;
	v5 =	vmul.f32 v5, v10;
	s24 =	sadd.s32 $0x80, s24;
	s15 =	smov.u32 s23;
	s23 =	sadd.s32 $0x40, s23  }
0x83: {  	v8 =	vmul.f32 v4, v8;
	v6 =	vmul.f32 v9, v6;
	[tilespmem:s22+$0x20] =	vst v12  }
0x84: {  	[tilespmem:s22+$0xFFFFFFD0] =	vst v13  }
0x85: {  	[tilespmem:s22+$0xFFFFFFE0] =	vst v11  }
0x86: {  	[tilespmem:s22+$0x30] =	vst v5  }
0x87: {  	v4 =	vld [tilespmem:s24+$0xFFFFFFF0];
	[tilespmem:s22+$0x10] =	vst v6  }
0x88: {  	v11 =	vld [tilespmem:s24+$0xFFFFFFD0];
	[tilespmem:s22+$0xFFFFFFF0] =	vst v8  }
0x89: {  	s15 =	sshra.s32 s15, $0x2;
	v12 =	vld [tilespmem:s24+$0x20];
	[tilespmem:s22+$0x0] =	vst v7;
	s22 =	smov.u32 s24  }
0x8a: {  	v6 =	vld [tilespmem:s15+$0x1A90]  }
0x8b: {  	v5 =	vld [tilespmem:s24+$0x30]  }
0x8c: {  	v13 =	vld [tilespmem:s24+$0xFFFFFFC0]  }
0x8d: {  	v15 =	vld [tilespmem:s24+$0xFFFFFFE0]  }
.Ltmp1:
0x8e: {  	v7 =	vld [tilespmem:s24+$0x0];
	(pc) =	sbr.rel @p1 .LBB2_5-.Ltmp1, $4  }
0x8f: {  	v16 =	vperm.xlane v6, v0;
	v9 =	vld [tilespmem:s24+$0x10];
	v10 =	vperm.xlane v6, v3  }
0x90: {  	v8 =	vperm.xlane v6, v1;
	v6 =	vperm.xlane v6, v2  }
0x91: {  	v14 =	vmul.f32 v13, v16;
	v12 =	vmul.f32 v12, v10  }
0x92: {  	v13 =	vmul.f32 v11, v16;
	v11 =	vmul.f32 v15, v8  }
0x93: {  	[tilespmem:s22+$0xFFFFFFC0] =	vst v14  }
0x94: {  	[tilespmem:s22+$0x20] =	vst v12  }
0x95: {  	v5 =	vmul.f32 v5, v10;
	[tilespmem:s22+$0xFFFFFFD0] =	vst v13  }
0x96: {  	v4 =	vmul.f32 v4, v8;
	[tilespmem:s22+$0xFFFFFFE0] =	vst v11  }
0x97: {  	v9 =	vmul.f32 v9, v6;
	[tilespmem:s22+$0x30] =	vst v5  }
0x98: {  	s21 =	sadd.s32 $0x1, s21;
	v5 =	vmul.f32 v7, v6;
	[tilespmem:s22+$0xFFFFFFF0] =	vst v4  }
0x99: {  	p1 =	sne.s32 s21, $0x32;
	[tilespmem:s22+$0x10] =	vst v9  }
.Ltmp2:
0x9a: {  	[tilespmem:s22+$0x0] =	vst v5;
	(pc) =	sbr.rel @p1 .LBB2_2-.Ltmp2, $4  }
0x9b: {  	[spmem:s1] =	stream.indirect.scatter.add.f32 [tilespmem:s31], [sflag:$0x4], $0x80, s28, s28, $0xb8;
	[tilespmem:$0x1EAA0] =	vst v63  }
0x9c: {  	_ =	swait.ge [sflag:s26], $0x6400  }
0x9d: {  	[sflag:s26] =	ssyncset.done $0x0  }
0x9e: {  	[sflag:s26] =	ssyncadd.s32 $0xFFFF9C00  }
0x9f: {  	[bflag:$0x0] =	sbarrier.arrive $0xFFFF  }
0xa0: {  	s15 =	rddreg [dreg:$0xb]  }
0xa1: {  	[hbm:s15], [sflag:s12] =	dma.local [spmem:s13], $0x2700  }
0xa2: {  	_ =	swait.ge [sflag:s26], $0x2700  }
0xa3: {  	[sflag:s26] =	ssyncset.done $0x0  }
0xa4: {  	s13 =	rddreg [dreg:$0xe];
	[sflag:s26] =	ssyncadd.s32 $0xFFFFD900  }
0xa5: {  	[hbm:s13], [sflag:s12] =	dma.local @p0 [spmem:s14], $0x4E0  }
0xa6: {  	s13 =	simm.s32 @p0 $0x4  }
0xa7: {  	_ =	swait.ge @p0 [sflag:s13], $0x4E0  }
0xa8: {  	[sflag:s13] =	ssyncset.done @p0 $0x0  }
0xa9: {  	[sflag:s13] =	ssyncadd.s32 @p0 $0xFFFFFB20;
	s13 =	rddreg [dreg:$0xf]  }
0xaa: {  	[hbm:s13], [sflag:s12] =	dma.local @!p0 [spmem:s17], $0x100  }
0xab: {  	s13 =	simm.s32 @!p0 $0x4  }
0xac: {  	_ =	swait.ge @!p0 [sflag:s13], $0x100  }
0xad: {  	[sflag:s13] =	ssyncset.done @!p0 $0x0  }
0xae: {  	s14 =	rddreg [dreg:$0x10];
	[sflag:s13] =	ssyncadd.s32 @!p0 $0xFFFFFF00  }
0xaf: {  	[hbm:s14], [sflag:s12] =	dma.local @!p0 [spmem:s18], $0x4E0  }
0xb0: {  	_ =	swait.ge @!p0 [sflag:s13], $0x4E0  }
0xb1: {  	[sflag:s13] =	ssyncset.done @!p0 $0x0  }
0xb2: {  	s14 =	rddreg [dreg:$0x11];
	[sflag:s13] =	ssyncadd.s32 @!p0 $0xFFFFFB20  }
0xb3: {  	[hbm:s14], [sflag:s12] =	dma.local @!p0 [spmem:s19], $0x20  }
0xb4: {  	_ =	swait.ge @!p0 [sflag:s13], $0x20  }
0xb5: {  	s3 =	sadd.s32 $0x1, s3;
	s25 =	rddreg [dreg:$0x12]  }
0xb6: {  	p1 =	sne.s32 s3, s25  }
.Ltmp3:
0xb7: {  	_ = 	snop;
	(pc) =	sbr.rel @p1 .LBB2_1-.Ltmp3, $3  }
0xb8: {  	_ =	sdelay $0x1  }
0xb9: {  	[sflag:s13] =	ssyncset.done @!p0 $0x0  }
0xba: {  	[sflag:s13] =	ssyncadd.s32 @!p0 $0xFFFFFFE0  }
0xbb: {  	_ =	sfence.sel $0x180000  }
0xbc: {  	[bflag:$0x0] =	sbarrier.arrive $0xFFFF  }
0xbd: {  	_ =	strace $0x90000047  }
0xbe: {  	s0 =	stileid.u32;
	[bflag:$0x2] =	sbarrier.arrive $0xFFFF  }
0xbf: {  	p0 =	sne.s32 s0, $0x0;
	s0 =	rddreg [dreg:$0x4]  }
0xc0: {  	s0 =	sadd.s32 @!p0 $0x100000, s0  }
0xc1: {  	[sflag:s0] =	ssyncadd.tile.s32 @!p0 $0x1;
	_ =	shalt  }
.Lfunc_end2:
_tile_overlayer_lowered:
.L_overlay_start_2:
0xc2: {  	(tag) =	ssettag $0x2  }
0xc3: {  	s0 =	rddreg [dreg:$0x0];
	s2 =	stileid.u32  }
0xc4: {  	s1 =	rddreg [dreg:$0x1];
	p0 =	sne.s32 s2, $0x0  }
0xc5: {  	s3 =	rddreg [dreg:$0x2];
	[bflag:$0x3] =	sbarrier.arrive $0xFFFF;
	s2 =	simm.s32 @!p0 $0x1C04  }
0xc6: {  	[timem:s3], [sflag:s2] =	dma.local @!p0 [hbm:s0], s1  }
0xc7: {  	s0 =	simm.s32 @!p0 $0x4  }
0xc8: {  	_ =	swait.ge @!p0 [sflag:s0], s1  }
0xc9: {  	s1 =	ssub.s32 @!p0 $0x0, s1;
	[sflag:s0] =	ssyncset.done @!p0 $0x0  }
0xca: {  	[sflag:s0] =	ssyncadd.s32 @!p0 s1  }
0xcb: {  	[bflag:$0x3] =	sbarrier.arrive $0xFFFF  }
0xcc: {  	_ =	shalt  }

</sc_bundles>
